<compile_context>
chip_gen: v7x
topology: tpu7x:2x2x1
jax: 0.10.2.dev20260603
libtpu: 0.0.44.dev20260713+nightly
codegen_flags: <defaults>
</compile_context>

<pallas_src>
import functools

import jax
import jax.numpy as jnp
from jax import lax
from jax.experimental import pallas as pl
from jax.experimental.pallas import tpu as pltpu
from jax.experimental.pallas import tpu_sc as plsc

N = 10000
E = 320000
D = 128

NC = 2
NS = 16

EPS = E // (NC * NS)
CHUNK = 128
NCHUNK = 84
EPAD = NCHUNK * CHUNK - EPS
PADROWS = 80
NP = N + PADROWS
NSTRIPE_R = 80
NZSTRIPE = NP // NSTRIPE_R
NSTRIPE = N // NSTRIPE_R


def _sc_body(feat_hbm, src_hbm, out_hbm,
             sidx_v, didx_v, rows_v, agg_s, gsem, ssem):
    c = lax.axis_index("c")
    s = lax.axis_index("s")

    zbuf = rows_v.at[0, pl.ds(0, NSTRIPE_R)]

    def _zstore(i, carry):
        rows_v[0, i // 4, pl.ds((i % 4) * 32, 32)] = (
            jnp.zeros((32,), jnp.bfloat16))
        return carry
    lax.fori_loop(0, NSTRIPE_R * (D // 32), _zstore, 0)

    def _zcopy(t, carry):
        idx = s + NS * t

        @pl.when(idx < NZSTRIPE)
        def _():
            pltpu.sync_copy(zbuf, agg_s.at[pl.ds(idx * NSTRIPE_R, NSTRIPE_R)])
        return carry
    lax.fori_loop(0, pl.cdiv(NZSTRIPE, NS), _zcopy, 0)
    plsc.subcore_barrier()

    pltpu.sync_copy(src_hbm.at[0, c, s], sidx_v)
    pltpu.sync_copy(src_hbm.at[1, c, s], didx_v)

    for u in range(4):
        pltpu.async_copy(feat_hbm.at[sidx_v.at[u]], rows_v.at[u], gsem.at[u])

    def _step(t, carry):
        base = (t % 2) * 4
        nbase = 4 - base
        scatters = []
        for u in range(4):
            j = 4 * t + u

            @pl.when(j + 4 < NCHUNK)
            def _():
                pltpu.async_copy(feat_hbm.at[sidx_v.at[j + 4]],
                                 rows_v.at[nbase + u], gsem.at[nbase + u])
            pltpu.make_async_copy(feat_hbm.at[sidx_v.at[j]],
                                  rows_v.at[base + u], gsem.at[base + u]).wait()
            scatters.append(pltpu.async_copy(
                rows_v.at[base + u], agg_s.at[didx_v.at[j]],
                ssem.at[base + u], add=True))
        for d in scatters:
            d.wait()
        return carry
    lax.fori_loop(0, NCHUNK // 4, _step, 0)
    plsc.subcore_barrier()

    def _ocopy(t, carry):
        idx = s + NS * t

        @pl.when(idx < NSTRIPE)
        def _():
            pltpu.sync_copy(agg_s.at[pl.ds(idx * NSTRIPE_R, NSTRIPE_R)],
                            out_hbm.at[c, pl.ds(idx * NSTRIPE_R, NSTRIPE_R)])
        return carry
    lax.fori_loop(0, pl.cdiv(NSTRIPE, NS), _ocopy, 0)


@functools.cache
def _sc_agg():
    mesh = plsc.VectorSubcoreMesh(
        core_axis_name="c", subcore_axis_name="s",
        num_cores=NC, num_subcores=NS)
    return pl.kernel(
        _sc_body,
        out_type=jax.ShapeDtypeStruct((NC, N, D), jnp.bfloat16),
        mesh=mesh,
        scratch_types=[
            pltpu.VMEM((NCHUNK, CHUNK), jnp.int32),
            pltpu.VMEM((NCHUNK, CHUNK), jnp.int32),
            pltpu.VMEM((8, CHUNK, D), jnp.bfloat16),
            pltpu.VMEM_SHARED((NP, D), jnp.bfloat16),
            pltpu.SemaphoreType.DMA((8,)),
            pltpu.SemaphoreType.DMA((8,)),
        ],
        compiler_params=pltpu.CompilerParams(use_tc_tiling_on_sc=False),
    )


BR = 1000


def _tc_body(f_ref, a0_ref, a1_ref, dn_ref, w0t_ref, w1t_ref,
             b0_ref, b1_ref, o_ref):
    h0 = jnp.dot(f_ref[...], w0t_ref[...],
                 preferred_element_type=jnp.float32) + b0_ref[...]
    agg = ((a0_ref[0].astype(jnp.float32) + a1_ref[0].astype(jnp.float32))
           * dn_ref[...])
    h1 = jnp.dot(agg, w1t_ref[...],
                 preferred_element_type=jnp.float32) + b1_ref[...]
    o_ref[:, :D] = h0
    o_ref[:, D:] = h1


_tc_fuse = pl.pallas_call(
    _tc_body,
    grid=(N // BR,),
    in_specs=[
        pl.BlockSpec((BR, D), lambda i: (i, 0)),
        pl.BlockSpec((1, BR, D), lambda i: (0, i, 0)),
        pl.BlockSpec((1, BR, D), lambda i: (1, i, 0)),
        pl.BlockSpec((BR, 1), lambda i: (i, 0)),
        pl.BlockSpec((D, D), lambda i: (0, 0)),
        pl.BlockSpec((D, D), lambda i: (0, 0)),
        pl.BlockSpec((1, D), lambda i: (0, 0)),
        pl.BlockSpec((1, D), lambda i: (0, 0)),
    ],
    out_specs=pl.BlockSpec((BR, 2 * D), lambda i: (i, 0)),
    out_shape=jax.ShapeDtypeStruct((N, 2 * D), jnp.float32),
)


def kernel(features, edge_index, D_norm, W0, b0, W1, b1):
    featc = features.astype(jnp.bfloat16)
    lane = jnp.arange(EPAD, dtype=jnp.int32)[None, None, None, :]
    sub = jnp.arange(NS, dtype=jnp.int32)[None, None, :, None]
    pad_src = jnp.broadcast_to((sub * 1249 + lane * 257) % N,
                               (1, NC, NS, EPAD))
    pad_dst = jnp.broadcast_to(N + (sub * 5 + lane) % PADROWS,
                               (1, NC, NS, EPAD))
    pad = jnp.concatenate([pad_src, pad_dst], axis=0)
    idx2 = jnp.concatenate([edge_index.reshape(2, NC, NS, EPS), pad], axis=3)
    idx4 = idx2.reshape(2, NC, NS, NCHUNK, CHUNK)
    agg = _sc_agg()(featc, idx4)
    return _tc_fuse(features, agg, agg, D_norm,
                    W0.T, W1.T, b0.reshape(1, D), b1.reshape(1, D))

# --- scband reference (transcript-rebuilt; emitter-appended) ---
"""Pipeline reference for scband-gcnlayer-10771777979054 (READ-ONLY COPY).

The authoritative reference and input builder live on the scoring server;
editing this copy changes nothing except your own understanding.
"""

import jax, jax.numpy as jnp
import numpy as np

N = 10000
E = 320000
D_IN = 128
D_OUT = 128


def setup_inputs(seed: int = 0) -> dict:
    key = jax.random.key(seed)
    k1, k2, k3, k4, k5 = jax.random.split(key, 5)
    features = jax.random.normal(k1, (N, D_IN), dtype=jnp.float32)
    edge_index = jax.random.randint(k2, (2, E), 0, N, dtype=jnp.int32)
    D_norm = jax.random.uniform(k3, (N, 1), dtype=jnp.float32)
    W0 = jax.random.normal(k4, (D_OUT, D_IN), dtype=jnp.float32) * 0.05
    b0 = jnp.zeros((D_OUT,), dtype=jnp.float32)
    W1 = jax.random.normal(k5, (D_OUT, D_IN), dtype=jnp.float32) * 0.05
    b1 = jnp.zeros((D_OUT,), dtype=jnp.float32)
    return {"features": features, "edge_index": edge_index, "D_norm": D_norm,
            "W0": W0, "b0": b0, "W1": W1, "b1": b1}


def reference(features, edge_index, D_norm, W0, b0, W1, b1):
    # GCNLayer.forward with order=1, act=None, dropout=0 (identity in eval), no batch_norm.
    # hop 0: raw features; hop 1: copy_u -> sum over incoming edges, scaled by D_norm.
    src = edge_index[0]
    dst = edge_index[1]
    msg = features[src]                                   # gather (SparseCore)
    agg = jax.ops.segment_sum(msg, dst, num_segments=N)   # scatter-add (SparseCore)
    h_hop1 = agg * D_norm
    # feat_trans for each hop: Linear(in_dim, out_dim) with bias
    h_part0 = features @ W0.T + b0
    h_part1 = h_hop1 @ W1.T + b1
    h_out = jnp.concatenate([h_part0, h_part1], axis=1)
    return h_out

if __name__ == "__main__":
    import jax
    _d = setup_inputs()
    print(jax.jit(kernel)(*tuple(_d.values())))

</pallas_src>

<mosaic_0001>
#map = affine_map<(d0, d1) -> (0, 0)>
#map1 = affine_map<(d0, d1) -> (0, 0, 0, 0, 0)>
#map2 = affine_map<(d0, d1) -> (0, 0, 0)>
module attributes {stable_mosaic.version = 14 : i64} {
  func.func @_sc_body(%arg0: i32, %arg1: i32, %arg2: memref<10000x128xbf16, #tpu.memory_space<hbm>>, %arg3: memref<2x2x16x84x128xi32, #tpu.memory_space<hbm>>, %arg4: memref<2x10000x128xbf16, #tpu.memory_space<hbm>>, %arg5: memref<84x128xi32, #tpu.memory_space<vmem>>, %arg6: memref<84x128xi32, #tpu.memory_space<vmem>>, %arg7: memref<8x128x128xbf16, #tpu.memory_space<vmem>>, %arg8: memref<10080x128xbf16, #tpu.memory_space<vmem_shared>>, %arg9: memref<8x!tpu.dma_semaphore, #tpu.memory_space<semaphore_mem>>, %arg10: memref<8x!tpu.dma_semaphore, #tpu.memory_space<semaphore_mem>>) attributes {dimension_semantics = [#tpu.dimension_semantics<core_parallel>, #tpu.dimension_semantics<subcore_parallel>], iteration_bounds = array<i64: 2, 16>, scalar_prefetch = 0 : i64, scratch_operands = 6 : i64, tpu.core_type = #tpu.core_type<sc_vector_subcore>, window_params = [{transform_indices = #map}, {transform_indices = #map1}, {transform_indices = #map2}]} {
    %scan3A = arith.constant 0 : i32
    %scan3A_0 = arith.constant 0 : i32
    %scan3A_1 = arith.constant 320 : i32
    %scan3A_2 = arith.addi %scan3A_0, %scan3A_1 : i32
    %scan3A_3 = arith.constant 1 : i32
    scf.for %scan3A_85 = %scan3A_0 to %scan3A_2 step %scan3A_3  : i32 {
      %broadcast_in_dim3A = arith.constant 0.000000e+00 : bf16
      %broadcast_in_dim3A_86 = vector.broadcast %broadcast_in_dim3A : bf16 to vector<32xbf16>
      %jit3A = arith.constant 4 : i32
      %div3A = arith.divsi %scan3A_85, %jit3A : i32
      %sign3A = arith.constant 0 : i32
      %sign3A_87 = arith.cmpi sgt, %scan3A_85, %sign3A : i32
      %sign3A_88 = arith.extui %sign3A_87 : i1 to i32
      %sign3A_89 = arith.constant 0 : i32
      %sign3A_90 = arith.cmpi slt, %scan3A_85, %sign3A_89 : i32
      %sign3A_91 = arith.extui %sign3A_90 : i1 to i32
      %sign3A_92 = arith.subi %sign3A_88, %sign3A_91 : i32
      %sign3A_93 = arith.constant 0 : i32
      %sign3A_94 = arith.cmpi sgt, %jit3A, %sign3A_93 : i32
      %sign3A_95 = arith.extui %sign3A_94 : i1 to i32
      %sign3A_96 = arith.constant 0 : i32
      %sign3A_97 = arith.cmpi slt, %jit3A, %sign3A_96 : i32
      %sign3A_98 = arith.extui %sign3A_97 : i1 to i32
      %sign3A_99 = arith.subi %sign3A_95, %sign3A_98 : i32
      %ne3A = arith.cmpi ne, %sign3A_92, %sign3A_99 : i32
      %rem3A = arith.remsi %scan3A_85, %jit3A : i32
      %ne3A_100 = arith.constant 0 : i32
      %ne3A_101 = arith.cmpi ne, %rem3A, %ne3A_100 : i32
      %and3A = arith.andi %ne3A, %ne3A_101 : i1
      %sub3A = arith.constant 1 : i32
      %sub3A_102 = arith.subi %div3A, %sub3A : i32
      %select_n3A = arith.select %and3A, %sub3A_102, %div3A : i32
      %jit3A_103 = arith.constant 4 : i32
      %eq3A = arith.constant 0 : i32
      %eq3A_104 = arith.cmpi eq, %jit3A_103, %eq3A : i32
      %jit3A_105 = arith.constant 1 : i32
      %select_n3A_106 = arith.select %eq3A_104, %jit3A_105, %jit3A_103 : i32
      %rem3A_107 = arith.remsi %scan3A_85, %select_n3A_106 : i32
      %ne3A_108 = arith.constant 0 : i32
      %ne3A_109 = arith.cmpi ne, %rem3A_107, %ne3A_108 : i32
      %lt3A = arith.constant 0 : i32
      %lt3A_110 = arith.cmpi slt, %rem3A_107, %lt3A : i32
      %lt3A_111 = arith.constant 0 : i32
      %lt3A_112 = arith.cmpi slt, %select_n3A_106, %lt3A_111 : i32
      %ne3A_113 = arith.xori %lt3A_110, %lt3A_112 : i1
      %and3A_114 = arith.andi %ne3A_113, %ne3A_109 : i1
      %add3A = arith.addi %rem3A_107, %select_n3A_106 : i32
      %select_n3A_115 = arith.select %and3A_114, %add3A, %rem3A_107 : i32
      %mul3A = arith.constant 32 : i32
      %mul3A_116 = arith.muli %select_n3A_115, %mul3A : i32
      %swap3A = arith.constant 0 : i32
      %swap3A_117 = arith.index_cast %swap3A : i32 to index
      %swap3A_118 = arith.index_cast %select_n3A : i32 to index
      %swap3A_119 = arith.index_cast %mul3A_116 : i32 to index
      %swap3A_120 = tpu.vector_load %arg7[%swap3A_117, %swap3A_118, %swap3A_119] {strides = array<i32>} : memref<8x128x128xbf16, #tpu.memory_space<vmem>>, vector<1x1x32xbf16>,
      %swap3A_121 = vector.shape_cast %swap3A_120 : vector<1x1x32xbf16> to vector<32xbf16>
      %swap3A_122 = vector.shape_cast %broadcast_in_dim3A_86 : vector<32xbf16> to vector<1x1x32xbf16>
      tpu.vector_store %arg7[%swap3A_117, %swap3A_118, %swap3A_119], %swap3A_122 {strides = array<i32>} : memref<8x128x128xbf16, #tpu.memory_space<vmem>>, vector<1x1x32xbf16>,
    }
    %scan3A_4 = arith.constant 320 : i32
    %scan3A_5 = arith.constant 0 : i32
    %scan3A_6 = arith.constant 0 : i32
    %scan3A_7 = arith.constant 0 : i32
    %scan3A_8 = arith.constant 8 : i32
    %scan3A_9 = arith.addi %scan3A_7, %scan3A_8 : i32
    %scan3A_10 = arith.constant 1 : i32
    scf.for %scan3A_85 = %scan3A_7 to %scan3A_9 step %scan3A_10  : i32 {
      %mul3A = arith.constant 16 : i32
      %mul3A_86 = arith.muli %mul3A, %scan3A_85 : i32
      %add3A = arith.addi %arg1, %mul3A_86 : i32
      %lt3A = arith.constant 126 : i32
      %lt3A_87 = arith.cmpi slt, %add3A, %lt3A : i32
      %convert_element_type3A = arith.extui %lt3A_87 : i1 to i32
      %cond3A = arith.constant 0 : i32
      %cond3A_88 = arith.cmpi ne, %convert_element_type3A, %cond3A : i32
      scf.if %cond3A_88 {
        %mul3A_89 = arith.constant 80 : i32
        %mul3A_90 = arith.muli %add3A, %mul3A_89 : i32
        "tpu.region"() ({
          %run_scoped3A_91 = tpu.sem_alloc : memref<!tpu.dma_semaphore, #tpu.memory_space<semaphore_mem>>
          %dma_start3A_92 = arith.constant 0 : i32
          %dma_start3A_93 = arith.constant 0 : i32
          %dma_start3A_94 = tpu.memref_slice %arg7[%scan3A_6, %dma_start3A_92, %dma_start3A_93] : memref<8x128x128xbf16, #tpu.memory_space<vmem>> -> memref<1x80x128xbf16, #tpu.memory_space<vmem>>
          %dma_start3A_95 = tpu.memref_squeeze %dma_start3A_94 : memref<1x80x128xbf16, #tpu.memory_space<vmem>> -> memref<80x128xbf16, #tpu.memory_space<vmem>>
          %dma_start3A_96 = arith.constant 0 : i32
          %dma_start3A_97 = tpu.memref_slice %arg8[%mul3A_90, %dma_start3A_96] : memref<10080x128xbf16, #tpu.memory_space<vmem_shared>> -> memref<80x128xbf16, #tpu.memory_space<vmem_shared>>
          %dma_start3A_98 = arith.constant 0 : i32
          %dma_start3A_99 = tpu.memref_slice %arg8[%mul3A_90, %dma_start3A_98] : memref<10080x128xbf16, #tpu.memory_space<vmem_shared>> -> memref<80x128xbf16, #tpu.memory_space<vmem_shared>>
          %dma_start3A_100 = arith.constant 0 : i32
          %dma_start3A_101 = arith.constant 0 : i32
          %dma_start3A_102 = tpu.memref_slice %arg7[%scan3A_6, %dma_start3A_100, %dma_start3A_101] : memref<8x128x128xbf16, #tpu.memory_space<vmem>> -> memref<1x80x128xbf16, #tpu.memory_space<vmem>>
          %dma_start3A_103 = tpu.memref_squeeze %dma_start3A_102 : memref<1x80x128xbf16, #tpu.memory_space<vmem>> -> memref<80x128xbf16, #tpu.memory_space<vmem>>
          tpu.enqueue_dma source(%dma_start3A_103 : memref<80x128xbf16, #tpu.memory_space<vmem>>) target(%dma_start3A_99 : memref<80x128xbf16, #tpu.memory_space<vmem_shared>>) target_semaphore(%run_scoped3A_91 : memref<!tpu.dma_semaphore, #tpu.memory_space<semaphore_mem>>)
          %dma_wait3A = arith.constant 0 : i32
          %dma_wait3A_104 = arith.constant 0 : i32
          %dma_wait3A_105 = tpu.memref_slice %arg7[%scan3A_6, %dma_wait3A, %dma_wait3A_104] : memref<8x128x128xbf16, #tpu.memory_space<vmem>> -> memref<1x80x128xbf16, #tpu.memory_space<vmem>>
          %dma_wait3A_106 = tpu.memref_squeeze %dma_wait3A_105 : memref<1x80x128xbf16, #tpu.memory_space<vmem>> -> memref<80x128xbf16, #tpu.memory_space<vmem>>
          %dma_wait3A_107 = arith.constant 0 : i32
          %dma_wait3A_108 = tpu.memref_slice %arg8[%mul3A_90, %dma_wait3A_107] : memref<10080x128xbf16, #tpu.memory_space<vmem_shared>> -> memref<80x128xbf16, #tpu.memory_space<vmem_shared>>
          %dma_wait3A_109 = arith.constant 0 : i32
          %dma_wait3A_110 = tpu.memref_slice %arg8[%mul3A_90, %dma_wait3A_109] : memref<10080x128xbf16, #tpu.memory_space<vmem_shared>> -> memref<80x128xbf16, #tpu.memory_space<vmem_shared>>
          %dma_wait3A_111 = arith.constant 0 : i32
          %dma_wait3A_112 = arith.constant 0 : i32
          %dma_wait3A_113 = tpu.memref_slice %arg7[%scan3A_6, %dma_wait3A_111, %dma_wait3A_112] : memref<8x128x128xbf16, #tpu.memory_space<vmem>> -> memref<1x80x128xbf16, #tpu.memory_space<vmem>>
          %dma_wait3A_114 = tpu.memref_squeeze %dma_wait3A_113 : memref<1x80x128xbf16, #tpu.memory_space<vmem>> -> memref<80x128xbf16, #tpu.memory_space<vmem>>
          tpu.wait_dma2 semaphore(%run_scoped3A_91 : memref<!tpu.dma_semaphore, #tpu.memory_space<semaphore_mem>>) src(%dma_wait3A_114 : memref<80x128xbf16, #tpu.memory_space<vmem>>) dst(%dma_wait3A_110 : memref<80x128xbf16, #tpu.memory_space<vmem_shared>>)
          tpu.yield
        }) : () -> ()
      } else {
      }
    }
    %scan3A_11 = arith.constant 8 : i32
    %barrier3A = arith.constant 0 : index
    tpu.barrier barrier_id(%barrier3A)
    %run_scoped3A = arith.constant 0 : i32
    "tpu.region"() ({
      %run_scoped3A_85 = tpu.sem_alloc : memref<!tpu.dma_semaphore, #tpu.memory_space<semaphore_mem>>
      %dma_start3A_86 = arith.constant 0 : i32
      %dma_start3A_87 = arith.constant 0 : i32
      %dma_start3A_88 = tpu.memref_slice %arg3[%run_scoped3A, %arg0, %arg1, %dma_start3A_86, %dma_start3A_87] : memref<2x2x16x84x128xi32, #tpu.memory_space<hbm>> -> memref<1x1x1x84x128xi32, #tpu.memory_space<hbm>>
      %dma_start3A_89 = tpu.memref_squeeze %dma_start3A_88 : memref<1x1x1x84x128xi32, #tpu.memory_space<hbm>> -> memref<84x128xi32, #tpu.memory_space<hbm>>
      %dma_start3A_90 = arith.constant 0 : i32
      %dma_start3A_91 = arith.constant 0 : i32
      %dma_start3A_92 = tpu.memref_slice %arg3[%run_scoped3A, %arg0, %arg1, %dma_start3A_90, %dma_start3A_91] : memref<2x2x16x84x128xi32, #tpu.memory_space<hbm>> -> memref<1x1x1x84x128xi32, #tpu.memory_space<hbm>>
      %dma_start3A_93 = tpu.memref_squeeze %dma_start3A_92 : memref<1x1x1x84x128xi32, #tpu.memory_space<hbm>> -> memref<84x128xi32, #tpu.memory_space<hbm>>
      tpu.enqueue_dma source(%dma_start3A_93 : memref<84x128xi32, #tpu.memory_space<hbm>>) target(%arg5 : memref<84x128xi32, #tpu.memory_space<vmem>>) target_semaphore(%run_scoped3A_85 : memref<!tpu.dma_semaphore, #tpu.memory_space<semaphore_mem>>)
      %dma_wait3A = arith.constant 0 : i32
      %dma_wait3A_94 = arith.constant 0 : i32
      %dma_wait3A_95 = tpu.memref_slice %arg3[%run_scoped3A, %arg0, %arg1, %dma_wait3A, %dma_wait3A_94] : memref<2x2x16x84x128xi32, #tpu.memory_space<hbm>> -> memref<1x1x1x84x128xi32, #tpu.memory_space<hbm>>
      %dma_wait3A_96 = tpu.memref_squeeze %dma_wait3A_95 : memref<1x1x1x84x128xi32, #tpu.memory_space<hbm>> -> memref<84x128xi32, #tpu.memory_space<hbm>>
      %dma_wait3A_97 = arith.constant 0 : i32
      %dma_wait3A_98 = arith.constant 0 : i32
      %dma_wait3A_99 = tpu.memref_slice %arg3[%run_scoped3A, %arg0, %arg1, %dma_wait3A_97, %dma_wait3A_98] : memref<2x2x16x84x128xi32, #tpu.memory_space<hbm>> -> memref<1x1x1x84x128xi32, #tpu.memory_space<hbm>>
      %dma_wait3A_100 = tpu.memref_squeeze %dma_wait3A_99 : memref<1x1x1x84x128xi32, #tpu.memory_space<hbm>> -> memref<84x128xi32, #tpu.memory_space<hbm>>
      tpu.wait_dma2 semaphore(%run_scoped3A_85 : memref<!tpu.dma_semaphore, #tpu.memory_space<semaphore_mem>>) src(%dma_wait3A_100 : memref<84x128xi32, #tpu.memory_space<hbm>>) dst(%arg5 : memref<84x128xi32, #tpu.memory_space<vmem>>)
      tpu.yield
    }) : () -> ()
    %run_scoped3A_12 = arith.constant 1 : i32
    "tpu.region"() ({
      %run_scoped3A_85 = tpu.sem_alloc : memref<!tpu.dma_semaphore, #tpu.memory_space<semaphore_mem>>
      %dma_start3A_86 = arith.constant 0 : i32
      %dma_start3A_87 = arith.constant 0 : i32
      %dma_start3A_88 = tpu.memref_slice %arg3[%run_scoped3A_12, %arg0, %arg1, %dma_start3A_86, %dma_start3A_87] : memref<2x2x16x84x128xi32, #tpu.memory_space<hbm>> -> memref<1x1x1x84x128xi32, #tpu.memory_space<hbm>>
      %dma_start3A_89 = tpu.memref_squeeze %dma_start3A_88 : memref<1x1x1x84x128xi32, #tpu.memory_space<hbm>> -> memref<84x128xi32, #tpu.memory_space<hbm>>
      %dma_start3A_90 = arith.constant 0 : i32
      %dma_start3A_91 = arith.constant 0 : i32
      %dma_start3A_92 = tpu.memref_slice %arg3[%run_scoped3A_12, %arg0, %arg1, %dma_start3A_90, %dma_start3A_91] : memref<2x2x16x84x128xi32, #tpu.memory_space<hbm>> -> memref<1x1x1x84x128xi32, #tpu.memory_space<hbm>>
      %dma_start3A_93 = tpu.memref_squeeze %dma_start3A_92 : memref<1x1x1x84x128xi32, #tpu.memory_space<hbm>> -> memref<84x128xi32, #tpu.memory_space<hbm>>
      tpu.enqueue_dma source(%dma_start3A_93 : memref<84x128xi32, #tpu.memory_space<hbm>>) target(%arg6 : memref<84x128xi32, #tpu.memory_space<vmem>>) target_semaphore(%run_scoped3A_85 : memref<!tpu.dma_semaphore, #tpu.memory_space<semaphore_mem>>)
      %dma_wait3A = arith.constant 0 : i32
      %dma_wait3A_94 = arith.constant 0 : i32
      %dma_wait3A_95 = tpu.memref_slice %arg3[%run_scoped3A_12, %arg0, %arg1, %dma_wait3A, %dma_wait3A_94] : memref<2x2x16x84x128xi32, #tpu.memory_space<hbm>> -> memref<1x1x1x84x128xi32, #tpu.memory_space<hbm>>
      %dma_wait3A_96 = tpu.memref_squeeze %dma_wait3A_95 : memref<1x1x1x84x128xi32, #tpu.memory_space<hbm>> -> memref<84x128xi32, #tpu.memory_space<hbm>>
      %dma_wait3A_97 = arith.constant 0 : i32
      %dma_wait3A_98 = arith.constant 0 : i32
      %dma_wait3A_99 = tpu.memref_slice %arg3[%run_scoped3A_12, %arg0, %arg1, %dma_wait3A_97, %dma_wait3A_98] : memref<2x2x16x84x128xi32, #tpu.memory_space<hbm>> -> memref<1x1x1x84x128xi32, #tpu.memory_space<hbm>>
      %dma_wait3A_100 = tpu.memref_squeeze %dma_wait3A_99 : memref<1x1x1x84x128xi32, #tpu.memory_space<hbm>> -> memref<84x128xi32, #tpu.memory_space<hbm>>
      tpu.wait_dma2 semaphore(%run_scoped3A_85 : memref<!tpu.dma_semaphore, #tpu.memory_space<semaphore_mem>>) src(%dma_wait3A_100 : memref<84x128xi32, #tpu.memory_space<hbm>>) dst(%arg6 : memref<84x128xi32, #tpu.memory_space<vmem>>)
      tpu.yield
    }) : () -> ()
    %dma_start3A = arith.constant 0 : i32
    %dma_start3A_13 = arith.constant 0 : i32
    %dma_start3A_14 = arith.constant 0 : i32
    %dma_start3A_15 = arith.constant 0 : i32
    %dma_start3A_16 = arith.constant 0 : i32
    %dma_start3A_17 = tpu.memref_slice %arg7[%dma_start3A_13, %dma_start3A_15, %dma_start3A_16] : memref<8x128x128xbf16, #tpu.memory_space<vmem>> -> memref<1x128x128xbf16, #tpu.memory_space<vmem>>
    %dma_start3A_18 = tpu.memref_squeeze %dma_start3A_17 : memref<1x128x128xbf16, #tpu.memory_space<vmem>> -> memref<128x128xbf16, #tpu.memory_space<vmem>>
    %dma_start3A_19 = arith.constant 0 : i32
    %dma_start3A_20 = tpu.memref_slice %arg5[%dma_start3A, %dma_start3A_19] : memref<84x128xi32, #tpu.memory_space<vmem>> -> memref<1x128xi32, #tpu.memory_space<vmem>>
    %dma_start3A_21 = tpu.memref_squeeze %dma_start3A_20 : memref<1x128xi32, #tpu.memory_space<vmem>> -> memref<128xi32, #tpu.memory_space<vmem>>
    %dma_start3A_22 = arith.constant 0 : i32
    %dma_start3A_23 = arith.constant 0 : i32
    %dma_start3A_24 = tpu.memref_slice %arg2[%dma_start3A_22, %dma_start3A_23] : memref<10000x128xbf16, #tpu.memory_space<hbm>> -> memref<10000x128xbf16, #tpu.memory_space<hbm>>
    %dma_start3A_25 = tpu.memref_slice %arg9[%dma_start3A_14] : memref<8x!tpu.dma_semaphore, #tpu.memory_space<semaphore_mem>> -> memref<1x!tpu.dma_semaphore, #tpu.memory_space<semaphore_mem>>
    %dma_start3A_26 = tpu.memref_squeeze %dma_start3A_25 : memref<1x!tpu.dma_semaphore, #tpu.memory_space<semaphore_mem>> -> memref<!tpu.dma_semaphore, #tpu.memory_space<semaphore_mem>>
    tpu.enqueue_indirect_dma source(%dma_start3A_24 : memref<10000x128xbf16, #tpu.memory_space<hbm>>) target(%dma_start3A_18 : memref<128x128xbf16, #tpu.memory_space<vmem>>) offsets(%dma_start3A_21 : memref<128xi32, #tpu.memory_space<vmem>>) semaphore(%dma_start3A_26 : memref<!tpu.dma_semaphore, #tpu.memory_space<semaphore_mem>>)
    %dma_start3A_27 = arith.constant 1 : i32
    %dma_start3A_28 = arith.constant 1 : i32
    %dma_start3A_29 = arith.constant 1 : i32
    %dma_start3A_30 = arith.constant 0 : i32
    %dma_start3A_31 = arith.constant 0 : i32
    %dma_start3A_32 = tpu.memref_slice %arg7[%dma_start3A_28, %dma_start3A_30, %dma_start3A_31] : memref<8x128x128xbf16, #tpu.memory_space<vmem>> -> memref<1x128x128xbf16, #tpu.memory_space<vmem>>
    %dma_start3A_33 = tpu.memref_squeeze %dma_start3A_32 : memref<1x128x128xbf16, #tpu.memory_space<vmem>> -> memref<128x128xbf16, #tpu.memory_space<vmem>>
    %dma_start3A_34 = arith.constant 0 : i32
    %dma_start3A_35 = tpu.memref_slice %arg5[%dma_start3A_27, %dma_start3A_34] : memref<84x128xi32, #tpu.memory_space<vmem>> -> memref<1x128xi32, #tpu.memory_space<vmem>>
    %dma_start3A_36 = tpu.memref_squeeze %dma_start3A_35 : memref<1x128xi32, #tpu.memory_space<vmem>> -> memref<128xi32, #tpu.memory_space<vmem>>
    %dma_start3A_37 = arith.constant 0 : i32
    %dma_start3A_38 = arith.constant 0 : i32
    %dma_start3A_39 = tpu.memref_slice %arg2[%dma_start3A_37, %dma_start3A_38] : memref<10000x128xbf16, #tpu.memory_space<hbm>> -> memref<10000x128xbf16, #tpu.memory_space<hbm>>
    %dma_start3A_40 = tpu.memref_slice %arg9[%dma_start3A_29] : memref<8x!tpu.dma_semaphore, #tpu.memory_space<semaphore_mem>> -> memref<1x!tpu.dma_semaphore, #tpu.memory_space<semaphore_mem>>
    %dma_start3A_41 = tpu.memref_squeeze %dma_start3A_40 : memref<1x!tpu.dma_semaphore, #tpu.memory_space<semaphore_mem>> -> memref<!tpu.dma_semaphore, #tpu.memory_space<semaphore_mem>>
    tpu.enqueue_indirect_dma source(%dma_start3A_39 : memref<10000x128xbf16, #tpu.memory_space<hbm>>) target(%dma_start3A_33 : memref<128x128xbf16, #tpu.memory_space<vmem>>) offsets(%dma_start3A_36 : memref<128xi32, #tpu.memory_space<vmem>>) semaphore(%dma_start3A_41 : memref<!tpu.dma_semaphore, #tpu.memory_space<semaphore_mem>>)
    %dma_start3A_42 = arith.constant 2 : i32
    %dma_start3A_43 = arith.constant 2 : i32
    %dma_start3A_44 = arith.constant 2 : i32
    %dma_start3A_45 = arith.constant 0 : i32
    %dma_start3A_46 = arith.constant 0 : i32
    %dma_start3A_47 = tpu.memref_slice %arg7[%dma_start3A_43, %dma_start3A_45, %dma_start3A_46] : memref<8x128x128xbf16, #tpu.memory_space<vmem>> -> memref<1x128x128xbf16, #tpu.memory_space<vmem>>
    %dma_start3A_48 = tpu.memref_squeeze %dma_start3A_47 : memref<1x128x128xbf16, #tpu.memory_space<vmem>> -> memref<128x128xbf16, #tpu.memory_space<vmem>>
    %dma_start3A_49 = arith.constant 0 : i32
    %dma_start3A_50 = tpu.memref_slice %arg5[%dma_start3A_42, %dma_start3A_49] : memref<84x128xi32, #tpu.memory_space<vmem>> -> memref<1x128xi32, #tpu.memory_space<vmem>>
    %dma_start3A_51 = tpu.memref_squeeze %dma_start3A_50 : memref<1x128xi32, #tpu.memory_space<vmem>> -> memref<128xi32, #tpu.memory_space<vmem>>
    %dma_start3A_52 = arith.constant 0 : i32
    %dma_start3A_53 = arith.constant 0 : i32
    %dma_start3A_54 = tpu.memref_slice %arg2[%dma_start3A_52, %dma_start3A_53] : memref<10000x128xbf16, #tpu.memory_space<hbm>> -> memref<10000x128xbf16, #tpu.memory_space<hbm>>
    %dma_start3A_55 = tpu.memref_slice %arg9[%dma_start3A_44] : memref<8x!tpu.dma_semaphore, #tpu.memory_space<semaphore_mem>> -> memref<1x!tpu.dma_semaphore, #tpu.memory_space<semaphore_mem>>
    %dma_start3A_56 = tpu.memref_squeeze %dma_start3A_55 : memref<1x!tpu.dma_semaphore, #tpu.memory_space<semaphore_mem>> -> memref<!tpu.dma_semaphore, #tpu.memory_space<semaphore_mem>>
    tpu.enqueue_indirect_dma source(%dma_start3A_54 : memref<10000x128xbf16, #tpu.memory_space<hbm>>) target(%dma_start3A_48 : memref<128x128xbf16, #tpu.memory_space<vmem>>) offsets(%dma_start3A_51 : memref<128xi32, #tpu.memory_space<vmem>>) semaphore(%dma_start3A_56 : memref<!tpu.dma_semaphore, #tpu.memory_space<semaphore_mem>>)
    %dma_start3A_57 = arith.constant 3 : i32
    %dma_start3A_58 = arith.constant 3 : i32
    %dma_start3A_59 = arith.constant 3 : i32
    %dma_start3A_60 = arith.constant 0 : i32
    %dma_start3A_61 = arith.constant 0 : i32
    %dma_start3A_62 = tpu.memref_slice %arg7[%dma_start3A_58, %dma_start3A_60, %dma_start3A_61] : memref<8x128x128xbf16, #tpu.memory_space<vmem>> -> memref<1x128x128xbf16, #tpu.memory_space<vmem>>
    %dma_start3A_63 = tpu.memref_squeeze %dma_start3A_62 : memref<1x128x128xbf16, #tpu.memory_space<vmem>> -> memref<128x128xbf16, #tpu.memory_space<vmem>>
    %dma_start3A_64 = arith.constant 0 : i32
    %dma_start3A_65 = tpu.memref_slice %arg5[%dma_start3A_57, %dma_start3A_64] : memref<84x128xi32, #tpu.memory_space<vmem>> -> memref<1x128xi32, #tpu.memory_space<vmem>>
    %dma_start3A_66 = tpu.memref_squeeze %dma_start3A_65 : memref<1x128xi32, #tpu.memory_space<vmem>> -> memref<128xi32, #tpu.memory_space<vmem>>
    %dma_start3A_67 = arith.constant 0 : i32
    %dma_start3A_68 = arith.constant 0 : i32
    %dma_start3A_69 = tpu.memref_slice %arg2[%dma_start3A_67, %dma_start3A_68] : memref<10000x128xbf16, #tpu.memory_space<hbm>> -> memref<10000x128xbf16, #tpu.memory_space<hbm>>
    %dma_start3A_70 = tpu.memref_slice %arg9[%dma_start3A_59] : memref<8x!tpu.dma_semaphore, #tpu.memory_space<semaphore_mem>> -> memref<1x!tpu.dma_semaphore, #tpu.memory_space<semaphore_mem>>
    %dma_start3A_71 = tpu.memref_squeeze %dma_start3A_70 : memref<1x!tpu.dma_semaphore, #tpu.memory_space<semaphore_mem>> -> memref<!tpu.dma_semaphore, #tpu.memory_space<semaphore_mem>>
    tpu.enqueue_indirect_dma source(%dma_start3A_69 : memref<10000x128xbf16, #tpu.memory_space<hbm>>) target(%dma_start3A_63 : memref<128x128xbf16, #tpu.memory_space<vmem>>) offsets(%dma_start3A_66 : memref<128xi32, #tpu.memory_space<vmem>>) semaphore(%dma_start3A_71 : memref<!tpu.dma_semaphore, #tpu.memory_space<semaphore_mem>>)
    %scan3A_72 = arith.constant 0 : i32
    %scan3A_73 = arith.constant 0 : i32
    %scan3A_74 = arith.constant 21 : i32
    %scan3A_75 = arith.addi %scan3A_73, %scan3A_74 : i32
    %scan3A_76 = arith.constant 1 : i32
    scf.for %scan3A_85 = %scan3A_73 to %scan3A_75 step %scan3A_76  : i32 {
      %jit3A = arith.constant 2 : i32
      %eq3A = arith.constant 0 : i32
      %eq3A_86 = arith.cmpi eq, %jit3A, %eq3A : i32
      %jit3A_87 = arith.constant 1 : i32
      %select_n3A = arith.select %eq3A_86, %jit3A_87, %jit3A : i32
      %rem3A = arith.remsi %scan3A_85, %select_n3A : i32
      %ne3A = arith.constant 0 : i32
      %ne3A_88 = arith.cmpi ne, %rem3A, %ne3A : i32
      %lt3A = arith.constant 0 : i32
      %lt3A_89 = arith.cmpi slt, %rem3A, %lt3A : i32
      %lt3A_90 = arith.constant 0 : i32
      %lt3A_91 = arith.cmpi slt, %select_n3A, %lt3A_90 : i32
      %ne3A_92 = arith.xori %lt3A_89, %lt3A_91 : i1
      %and3A = arith.andi %ne3A_92, %ne3A_88 : i1
      %add3A = arith.addi %rem3A, %select_n3A : i32
      %select_n3A_93 = arith.select %and3A, %add3A, %rem3A : i32
      %mul3A = arith.constant 4 : i32
      %mul3A_94 = arith.muli %select_n3A_93, %mul3A : i32
      %sub3A = arith.constant 4 : i32
      %sub3A_95 = arith.subi %sub3A, %mul3A_94 : i32
      %mul3A_96 = arith.constant 4 : i32
      %mul3A_97 = arith.muli %mul3A_96, %scan3A_85 : i32
      %add3A_98 = arith.constant 0 : i32
      %add3A_99 = arith.addi %mul3A_97, %add3A_98 : i32
      %add3A_100 = arith.constant 4 : i32
      %add3A_101 = arith.addi %add3A_99, %add3A_100 : i32
      %lt3A_102 = arith.constant 84 : i32
      %lt3A_103 = arith.cmpi slt, %add3A_101, %lt3A_102 : i32
      %convert_element_type3A = arith.extui %lt3A_103 : i1 to i32
      %cond3A = arith.constant 0 : i32
      %cond3A_104 = arith.cmpi ne, %convert_element_type3A, %cond3A : i32
      scf.if %cond3A_104 {
        %add3A_313 = arith.constant 4 : i32
        %add3A_314 = arith.addi %add3A_99, %add3A_313 : i32
        %add3A_315 = arith.constant 0 : i32
        %add3A_316 = arith.addi %sub3A_95, %add3A_315 : i32
        %add3A_317 = arith.constant 0 : i32
        %add3A_318 = arith.addi %sub3A_95, %add3A_317 : i32
        %dma_start3A_319 = arith.constant 0 : i32
        %dma_start3A_320 = arith.constant 0 : i32
        %dma_start3A_321 = tpu.memref_slice %arg7[%add3A_316, %dma_start3A_319, %dma_start3A_320] : memref<8x128x128xbf16, #tpu.memory_space<vmem>> -> memref<1x128x128xbf16, #tpu.memory_space<vmem>>
        %dma_start3A_322 = tpu.memref_squeeze %dma_start3A_321 : memref<1x128x128xbf16, #tpu.memory_space<vmem>> -> memref<128x128xbf16, #tpu.memory_space<vmem>>
        %dma_start3A_323 = arith.constant 0 : i32
        %dma_start3A_324 = tpu.memref_slice %arg5[%add3A_314, %dma_start3A_323] : memref<84x128xi32, #tpu.memory_space<vmem>> -> memref<1x128xi32, #tpu.memory_space<vmem>>
        %dma_start3A_325 = tpu.memref_squeeze %dma_start3A_324 : memref<1x128xi32, #tpu.memory_space<vmem>> -> memref<128xi32, #tpu.memory_space<vmem>>
        %dma_start3A_326 = arith.constant 0 : i32
        %dma_start3A_327 = arith.constant 0 : i32
        %dma_start3A_328 = tpu.memref_slice %arg2[%dma_start3A_326, %dma_start3A_327] : memref<10000x128xbf16, #tpu.memory_space<hbm>> -> memref<10000x128xbf16, #tpu.memory_space<hbm>>
        %dma_start3A_329 = tpu.memref_slice %arg9[%add3A_318] : memref<8x!tpu.dma_semaphore, #tpu.memory_space<semaphore_mem>> -> memref<1x!tpu.dma_semaphore, #tpu.memory_space<semaphore_mem>>
        %dma_start3A_330 = tpu.memref_squeeze %dma_start3A_329 : memref<1x!tpu.dma_semaphore, #tpu.memory_space<semaphore_mem>> -> memref<!tpu.dma_semaphore, #tpu.memory_space<semaphore_mem>>
        tpu.enqueue_indirect_dma source(%dma_start3A_328 : memref<10000x128xbf16, #tpu.memory_space<hbm>>) target(%dma_start3A_322 : memref<128x128xbf16, #tpu.memory_space<vmem>>) offsets(%dma_start3A_325 : memref<128xi32, #tpu.memory_space<vmem>>) semaphore(%dma_start3A_330 : memref<!tpu.dma_semaphore, #tpu.memory_space<semaphore_mem>>)
      } else {
      }
      %add3A_105 = arith.constant 0 : i32
      %add3A_106 = arith.addi %mul3A_94, %add3A_105 : i32
      %add3A_107 = arith.constant 0 : i32
      %add3A_108 = arith.addi %mul3A_94, %add3A_107 : i32
      %dma_wait3A = arith.constant 0 : i32
      %dma_wait3A_109 = arith.constant 0 : i32
      %dma_wait3A_110 = tpu.memref_slice %arg7[%add3A_106, %dma_wait3A, %dma_wait3A_109] : memref<8x128x128xbf16, #tpu.memory_space<vmem>> -> memref<1x128x128xbf16, #tpu.memory_space<vmem>>
      %dma_wait3A_111 = tpu.memref_squeeze %dma_wait3A_110 : memref<1x128x128xbf16, #tpu.memory_space<vmem>> -> memref<128x128xbf16, #tpu.memory_space<vmem>>
      %dma_wait3A_112 = arith.constant 0 : i32
      %dma_wait3A_113 = tpu.memref_slice %arg5[%add3A_99, %dma_wait3A_112] : memref<84x128xi32, #tpu.memory_space<vmem>> -> memref<1x128xi32, #tpu.memory_space<vmem>>
      %dma_wait3A_114 = tpu.memref_squeeze %dma_wait3A_113 : memref<1x128xi32, #tpu.memory_space<vmem>> -> memref<128xi32, #tpu.memory_space<vmem>>
      %dma_wait3A_115 = arith.constant 0 : i32
      %dma_wait3A_116 = arith.constant 0 : i32
      %dma_wait3A_117 = tpu.memref_slice %arg2[%dma_wait3A_115, %dma_wait3A_116] : memref<10000x128xbf16, #tpu.memory_space<hbm>> -> memref<10000x128xbf16, #tpu.memory_space<hbm>>
      %dma_wait3A_118 = tpu.memref_slice %arg9[%add3A_108] : memref<8x!tpu.dma_semaphore, #tpu.memory_space<semaphore_mem>> -> memref<1x!tpu.dma_semaphore, #tpu.memory_space<semaphore_mem>>
      %dma_wait3A_119 = tpu.memref_squeeze %dma_wait3A_118 : memref<1x!tpu.dma_semaphore, #tpu.memory_space<semaphore_mem>> -> memref<!tpu.dma_semaphore, #tpu.memory_space<semaphore_mem>>
      tpu.wait_indirect_dma semaphore(%dma_wait3A_119 : memref<!tpu.dma_semaphore, #tpu.memory_space<semaphore_mem>>) src(%dma_wait3A_117 : memref<10000x128xbf16, #tpu.memory_space<hbm>>) dst(%dma_wait3A_111 : memref<128x128xbf16, #tpu.memory_space<vmem>>)
      %add3A_120 = arith.constant 0 : i32
      %add3A_121 = arith.addi %mul3A_94, %add3A_120 : i32
      %add3A_122 = arith.constant 0 : i32
      %add3A_123 = arith.addi %mul3A_94, %add3A_122 : i32
      %dma_start3A_124 = arith.constant 0 : i32
      %dma_start3A_125 = arith.constant 0 : i32
      %dma_start3A_126 = tpu.memref_slice %arg7[%add3A_121, %dma_start3A_124, %dma_start3A_125] : memref<8x128x128xbf16, #tpu.memory_space<vmem>> -> memref<1x128x128xbf16, #tpu.memory_space<vmem>>
      %dma_start3A_127 = tpu.memref_squeeze %dma_start3A_126 : memref<1x128x128xbf16, #tpu.memory_space<vmem>> -> memref<128x128xbf16, #tpu.memory_space<vmem>>
      %dma_start3A_128 = arith.constant 0 : i32
      %dma_start3A_129 = tpu.memref_slice %arg6[%add3A_99, %dma_start3A_128] : memref<84x128xi32, #tpu.memory_space<vmem>> -> memref<1x128xi32, #tpu.memory_space<vmem>>
      %dma_start3A_130 = tpu.memref_squeeze %dma_start3A_129 : memref<1x128xi32, #tpu.memory_space<vmem>> -> memref<128xi32, #tpu.memory_space<vmem>>
      %dma_start3A_131 = arith.constant 0 : i32
      %dma_start3A_132 = arith.constant 0 : i32
      %dma_start3A_133 = tpu.memref_slice %arg8[%dma_start3A_131, %dma_start3A_132] : memref<10080x128xbf16, #tpu.memory_space<vmem_shared>> -> memref<10080x128xbf16, #tpu.memory_space<vmem_shared>>
      %dma_start3A_134 = tpu.memref_slice %arg10[%add3A_123] : memref<8x!tpu.dma_semaphore, #tpu.memory_space<semaphore_mem>> -> memref<1x!tpu.dma_semaphore, #tpu.memory_space<semaphore_mem>>
      %dma_start3A_135 = tpu.memref_squeeze %dma_start3A_134 : memref<1x!tpu.dma_semaphore, #tpu.memory_space<semaphore_mem>> -> memref<!tpu.dma_semaphore, #tpu.memory_space<semaphore_mem>>
      tpu.enqueue_indirect_dma source(%dma_start3A_127 : memref<128x128xbf16, #tpu.memory_space<vmem>>) target(%dma_start3A_133 : memref<10080x128xbf16, #tpu.memory_space<vmem_shared>>) offsets(%dma_start3A_130 : memref<128xi32, #tpu.memory_space<vmem>>) semaphore(%dma_start3A_135 : memref<!tpu.dma_semaphore, #tpu.memory_space<semaphore_mem>>) {add = true}
      %mul3A_136 = arith.constant 4 : i32
      %mul3A_137 = arith.muli %mul3A_136, %scan3A_85 : i32
      %add3A_138 = arith.constant 1 : i32
      %add3A_139 = arith.addi %mul3A_137, %add3A_138 : i32
      %add3A_140 = arith.constant 4 : i32
      %add3A_141 = arith.addi %add3A_139, %add3A_140 : i32
      %lt3A_142 = arith.constant 84 : i32
      %lt3A_143 = arith.cmpi slt, %add3A_141, %lt3A_142 : i32
      %convert_element_type3A_144 = arith.extui %lt3A_143 : i1 to i32
      %cond3A_145 = arith.constant 0 : i32
      %cond3A_146 = arith.cmpi ne, %convert_element_type3A_144, %cond3A_145 : i32
      scf.if %cond3A_146 {
        %add3A_313 = arith.constant 4 : i32
        %add3A_314 = arith.addi %add3A_139, %add3A_313 : i32
        %add3A_315 = arith.constant 1 : i32
        %add3A_316 = arith.addi %sub3A_95, %add3A_315 : i32
        %add3A_317 = arith.constant 1 : i32
        %add3A_318 = arith.addi %sub3A_95, %add3A_317 : i32
        %dma_start3A_319 = arith.constant 0 : i32
        %dma_start3A_320 = arith.constant 0 : i32
        %dma_start3A_321 = tpu.memref_slice %arg7[%add3A_316, %dma_start3A_319, %dma_start3A_320] : memref<8x128x128xbf16, #tpu.memory_space<vmem>> -> memref<1x128x128xbf16, #tpu.memory_space<vmem>>
        %dma_start3A_322 = tpu.memref_squeeze %dma_start3A_321 : memref<1x128x128xbf16, #tpu.memory_space<vmem>> -> memref<128x128xbf16, #tpu.memory_space<vmem>>
        %dma_start3A_323 = arith.constant 0 : i32
        %dma_start3A_324 = tpu.memref_slice %arg5[%add3A_314, %dma_start3A_323] : memref<84x128xi32, #tpu.memory_space<vmem>> -> memref<1x128xi32, #tpu.memory_space<vmem>>
        %dma_start3A_325 = tpu.memref_squeeze %dma_start3A_324 : memref<1x128xi32, #tpu.memory_space<vmem>> -> memref<128xi32, #tpu.memory_space<vmem>>
        %dma_start3A_326 = arith.constant 0 : i32
        %dma_start3A_327 = arith.constant 0 : i32
        %dma_start3A_328 = tpu.memref_slice %arg2[%dma_start3A_326, %dma_start3A_327] : memref<10000x128xbf16, #tpu.memory_space<hbm>> -> memref<10000x128xbf16, #tpu.memory_space<hbm>>
        %dma_start3A_329 = tpu.memref_slice %arg9[%add3A_318] : memref<8x!tpu.dma_semaphore, #tpu.memory_space<semaphore_mem>> -> memref<1x!tpu.dma_semaphore, #tpu.memory_space<semaphore_mem>>
        %dma_start3A_330 = tpu.memref_squeeze %dma_start3A_329 : memref<1x!tpu.dma_semaphore, #tpu.memory_space<semaphore_mem>> -> memref<!tpu.dma_semaphore, #tpu.memory_space<semaphore_mem>>
        tpu.enqueue_indirect_dma source(%dma_start3A_328 : memref<10000x128xbf16, #tpu.memory_space<hbm>>) target(%dma_start3A_322 : memref<128x128xbf16, #tpu.memory_space<vmem>>) offsets(%dma_start3A_325 : memref<128xi32, #tpu.memory_space<vmem>>) semaphore(%dma_start3A_330 : memref<!tpu.dma_semaphore, #tpu.memory_space<semaphore_mem>>)
      } else {
      }
      %add3A_147 = arith.constant 1 : i32
      %add3A_148 = arith.addi %mul3A_94, %add3A_147 : i32
      %add3A_149 = arith.constant 1 : i32
      %add3A_150 = arith.addi %mul3A_94, %add3A_149 : i32
      %dma_wait3A_151 = arith.constant 0 : i32
      %dma_wait3A_152 = arith.constant 0 : i32
      %dma_wait3A_153 = tpu.memref_slice %arg7[%add3A_148, %dma_wait3A_151, %dma_wait3A_152] : memref<8x128x128xbf16, #tpu.memory_space<vmem>> -> memref<1x128x128xbf16, #tpu.memory_space<vmem>>
      %dma_wait3A_154 = tpu.memref_squeeze %dma_wait3A_153 : memref<1x128x128xbf16, #tpu.memory_space<vmem>> -> memref<128x128xbf16, #tpu.memory_space<vmem>>
      %dma_wait3A_155 = arith.constant 0 : i32
      %dma_wait3A_156 = tpu.memref_slice %arg5[%add3A_139, %dma_wait3A_155] : memref<84x128xi32, #tpu.memory_space<vmem>> -> memref<1x128xi32, #tpu.memory_space<vmem>>
      %dma_wait3A_157 = tpu.memref_squeeze %dma_wait3A_156 : memref<1x128xi32, #tpu.memory_space<vmem>> -> memref<128xi32, #tpu.memory_space<vmem>>
      %dma_wait3A_158 = arith.constant 0 : i32
      %dma_wait3A_159 = arith.constant 0 : i32
      %dma_wait3A_160 = tpu.memref_slice %arg2[%dma_wait3A_158, %dma_wait3A_159] : memref<10000x128xbf16, #tpu.memory_space<hbm>> -> memref<10000x128xbf16, #tpu.memory_space<hbm>>
      %dma_wait3A_161 = tpu.memref_slice %arg9[%add3A_150] : memref<8x!tpu.dma_semaphore, #tpu.memory_space<semaphore_mem>> -> memref<1x!tpu.dma_semaphore, #tpu.memory_space<semaphore_mem>>
      %dma_wait3A_162 = tpu.memref_squeeze %dma_wait3A_161 : memref<1x!tpu.dma_semaphore, #tpu.memory_space<semaphore_mem>> -> memref<!tpu.dma_semaphore, #tpu.memory_space<semaphore_mem>>
      tpu.wait_indirect_dma semaphore(%dma_wait3A_162 : memref<!tpu.dma_semaphore, #tpu.memory_space<semaphore_mem>>) src(%dma_wait3A_160 : memref<10000x128xbf16, #tpu.memory_space<hbm>>) dst(%dma_wait3A_154 : memref<128x128xbf16, #tpu.memory_space<vmem>>)
      %add3A_163 = arith.constant 1 : i32
      %add3A_164 = arith.addi %mul3A_94, %add3A_163 : i32
      %add3A_165 = arith.constant 1 : i32
      %add3A_166 = arith.addi %mul3A_94, %add3A_165 : i32
      %dma_start3A_167 = arith.constant 0 : i32
      %dma_start3A_168 = arith.constant 0 : i32
      %dma_start3A_169 = tpu.memref_slice %arg7[%add3A_164, %dma_start3A_167, %dma_start3A_168] : memref<8x128x128xbf16, #tpu.memory_space<vmem>> -> memref<1x128x128xbf16, #tpu.memory_space<vmem>>
      %dma_start3A_170 = tpu.memref_squeeze %dma_start3A_169 : memref<1x128x128xbf16, #tpu.memory_space<vmem>> -> memref<128x128xbf16, #tpu.memory_space<vmem>>
      %dma_start3A_171 = arith.constant 0 : i32
      %dma_start3A_172 = tpu.memref_slice %arg6[%add3A_139, %dma_start3A_171] : memref<84x128xi32, #tpu.memory_space<vmem>> -> memref<1x128xi32, #tpu.memory_space<vmem>>
      %dma_start3A_173 = tpu.memref_squeeze %dma_start3A_172 : memref<1x128xi32, #tpu.memory_space<vmem>> -> memref<128xi32, #tpu.memory_space<vmem>>
      %dma_start3A_174 = arith.constant 0 : i32
      %dma_start3A_175 = arith.constant 0 : i32
      %dma_start3A_176 = tpu.memref_slice %arg8[%dma_start3A_174, %dma_start3A_175] : memref<10080x128xbf16, #tpu.memory_space<vmem_shared>> -> memref<10080x128xbf16, #tpu.memory_space<vmem_shared>>
      %dma_start3A_177 = tpu.memref_slice %arg10[%add3A_166] : memref<8x!tpu.dma_semaphore, #tpu.memory_space<semaphore_mem>> -> memref<1x!tpu.dma_semaphore, #tpu.memory_space<semaphore_mem>>
      %dma_start3A_178 = tpu.memref_squeeze %dma_start3A_177 : memref<1x!tpu.dma_semaphore, #tpu.memory_space<semaphore_mem>> -> memref<!tpu.dma_semaphore, #tpu.memory_space<semaphore_mem>>
      tpu.enqueue_indirect_dma source(%dma_start3A_170 : memref<128x128xbf16, #tpu.memory_space<vmem>>) target(%dma_start3A_176 : memref<10080x128xbf16, #tpu.memory_space<vmem_shared>>) offsets(%dma_start3A_173 : memref<128xi32, #tpu.memory_space<vmem>>) semaphore(%dma_start3A_178 : memref<!tpu.dma_semaphore, #tpu.memory_space<semaphore_mem>>) {add = true}
      %mul3A_179 = arith.constant 4 : i32
      %mul3A_180 = arith.muli %mul3A_179, %scan3A_85 : i32
      %add3A_181 = arith.constant 2 : i32
      %add3A_182 = arith.addi %mul3A_180, %add3A_181 : i32
      %add3A_183 = arith.constant 4 : i32
      %add3A_184 = arith.addi %add3A_182, %add3A_183 : i32
      %lt3A_185 = arith.constant 84 : i32
      %lt3A_186 = arith.cmpi slt, %add3A_184, %lt3A_185 : i32
      %convert_element_type3A_187 = arith.extui %lt3A_186 : i1 to i32
      %cond3A_188 = arith.constant 0 : i32
      %cond3A_189 = arith.cmpi ne, %convert_element_type3A_187, %cond3A_188 : i32
      scf.if %cond3A_189 {
        %add3A_313 = arith.constant 4 : i32
        %add3A_314 = arith.addi %add3A_182, %add3A_313 : i32
        %add3A_315 = arith.constant 2 : i32
        %add3A_316 = arith.addi %sub3A_95, %add3A_315 : i32
        %add3A_317 = arith.constant 2 : i32
        %add3A_318 = arith.addi %sub3A_95, %add3A_317 : i32
        %dma_start3A_319 = arith.constant 0 : i32
        %dma_start3A_320 = arith.constant 0 : i32
        %dma_start3A_321 = tpu.memref_slice %arg7[%add3A_316, %dma_start3A_319, %dma_start3A_320] : memref<8x128x128xbf16, #tpu.memory_space<vmem>> -> memref<1x128x128xbf16, #tpu.memory_space<vmem>>
        %dma_start3A_322 = tpu.memref_squeeze %dma_start3A_321 : memref<1x128x128xbf16, #tpu.memory_space<vmem>> -> memref<128x128xbf16, #tpu.memory_space<vmem>>
        %dma_start3A_323 = arith.constant 0 : i32
        %dma_start3A_324 = tpu.memref_slice %arg5[%add3A_314, %dma_start3A_323] : memref<84x128xi32, #tpu.memory_space<vmem>> -> memref<1x128xi32, #tpu.memory_space<vmem>>
        %dma_start3A_325 = tpu.memref_squeeze %dma_start3A_324 : memref<1x128xi32, #tpu.memory_space<vmem>> -> memref<128xi32, #tpu.memory_space<vmem>>
        %dma_start3A_326 = arith.constant 0 : i32
        %dma_start3A_327 = arith.constant 0 : i32
        %dma_start3A_328 = tpu.memref_slice %arg2[%dma_start3A_326, %dma_start3A_327] : memref<10000x128xbf16, #tpu.memory_space<hbm>> -> memref<10000x128xbf16, #tpu.memory_space<hbm>>
        %dma_start3A_329 = tpu.memref_slice %arg9[%add3A_318] : memref<8x!tpu.dma_semaphore, #tpu.memory_space<semaphore_mem>> -> memref<1x!tpu.dma_semaphore, #tpu.memory_space<semaphore_mem>>
        %dma_start3A_330 = tpu.memref_squeeze %dma_start3A_329 : memref<1x!tpu.dma_semaphore, #tpu.memory_space<semaphore_mem>> -> memref<!tpu.dma_semaphore, #tpu.memory_space<semaphore_mem>>
        tpu.enqueue_indirect_dma source(%dma_start3A_328 : memref<10000x128xbf16, #tpu.memory_space<hbm>>) target(%dma_start3A_322 : memref<128x128xbf16, #tpu.memory_space<vmem>>) offsets(%dma_start3A_325 : memref<128xi32, #tpu.memory_space<vmem>>) semaphore(%dma_start3A_330 : memref<!tpu.dma_semaphore, #tpu.memory_space<semaphore_mem>>)
      } else {
      }
      %add3A_190 = arith.constant 2 : i32
      %add3A_191 = arith.addi %mul3A_94, %add3A_190 : i32
      %add3A_192 = arith.constant 2 : i32
      %add3A_193 = arith.addi %mul3A_94, %add3A_192 : i32
      %dma_wait3A_194 = arith.constant 0 : i32
      %dma_wait3A_195 = arith.constant 0 : i32
      %dma_wait3A_196 = tpu.memref_slice %arg7[%add3A_191, %dma_wait3A_194, %dma_wait3A_195] : memref<8x128x128xbf16, #tpu.memory_space<vmem>> -> memref<1x128x128xbf16, #tpu.memory_space<vmem>>
      %dma_wait3A_197 = tpu.memref_squeeze %dma_wait3A_196 : memref<1x128x128xbf16, #tpu.memory_space<vmem>> -> memref<128x128xbf16, #tpu.memory_space<vmem>>
      %dma_wait3A_198 = arith.constant 0 : i32
      %dma_wait3A_199 = tpu.memref_slice %arg5[%add3A_182, %dma_wait3A_198] : memref<84x128xi32, #tpu.memory_space<vmem>> -> memref<1x128xi32, #tpu.memory_space<vmem>>
      %dma_wait3A_200 = tpu.memref_squeeze %dma_wait3A_199 : memref<1x128xi32, #tpu.memory_space<vmem>> -> memref<128xi32, #tpu.memory_space<vmem>>
      %dma_wait3A_201 = arith.constant 0 : i32
      %dma_wait3A_202 = arith.constant 0 : i32
      %dma_wait3A_203 = tpu.memref_slice %arg2[%dma_wait3A_201, %dma_wait3A_202] : memref<10000x128xbf16, #tpu.memory_space<hbm>> -> memref<10000x128xbf16, #tpu.memory_space<hbm>>
      %dma_wait3A_204 = tpu.memref_slice %arg9[%add3A_193] : memref<8x!tpu.dma_semaphore, #tpu.memory_space<semaphore_mem>> -> memref<1x!tpu.dma_semaphore, #tpu.memory_space<semaphore_mem>>
      %dma_wait3A_205 = tpu.memref_squeeze %dma_wait3A_204 : memref<1x!tpu.dma_semaphore, #tpu.memory_space<semaphore_mem>> -> memref<!tpu.dma_semaphore, #tpu.memory_space<semaphore_mem>>
      tpu.wait_indirect_dma semaphore(%dma_wait3A_205 : memref<!tpu.dma_semaphore, #tpu.memory_space<semaphore_mem>>) src(%dma_wait3A_203 : memref<10000x128xbf16, #tpu.memory_space<hbm>>) dst(%dma_wait3A_197 : memref<128x128xbf16, #tpu.memory_space<vmem>>)
      %add3A_206 = arith.constant 2 : i32
      %add3A_207 = arith.addi %mul3A_94, %add3A_206 : i32
      %add3A_208 = arith.constant 2 : i32
      %add3A_209 = arith.addi %mul3A_94, %add3A_208 : i32
      %dma_start3A_210 = arith.constant 0 : i32
      %dma_start3A_211 = arith.constant 0 : i32
      %dma_start3A_212 = tpu.memref_slice %arg7[%add3A_207, %dma_start3A_210, %dma_start3A_211] : memref<8x128x128xbf16, #tpu.memory_space<vmem>> -> memref<1x128x128xbf16, #tpu.memory_space<vmem>>
      %dma_start3A_213 = tpu.memref_squeeze %dma_start3A_212 : memref<1x128x128xbf16, #tpu.memory_space<vmem>> -> memref<128x128xbf16, #tpu.memory_space<vmem>>
      %dma_start3A_214 = arith.constant 0 : i32
      %dma_start3A_215 = tpu.memref_slice %arg6[%add3A_182, %dma_start3A_214] : memref<84x128xi32, #tpu.memory_space<vmem>> -> memref<1x128xi32, #tpu.memory_space<vmem>>
      %dma_start3A_216 = tpu.memref_squeeze %dma_start3A_215 : memref<1x128xi32, #tpu.memory_space<vmem>> -> memref<128xi32, #tpu.memory_space<vmem>>
      %dma_start3A_217 = arith.constant 0 : i32
      %dma_start3A_218 = arith.constant 0 : i32
      %dma_start3A_219 = tpu.memref_slice %arg8[%dma_start3A_217, %dma_start3A_218] : memref<10080x128xbf16, #tpu.memory_space<vmem_shared>> -> memref<10080x128xbf16, #tpu.memory_space<vmem_shared>>
      %dma_start3A_220 = tpu.memref_slice %arg10[%add3A_209] : memref<8x!tpu.dma_semaphore, #tpu.memory_space<semaphore_mem>> -> memref<1x!tpu.dma_semaphore, #tpu.memory_space<semaphore_mem>>
      %dma_start3A_221 = tpu.memref_squeeze %dma_start3A_220 : memref<1x!tpu.dma_semaphore, #tpu.memory_space<semaphore_mem>> -> memref<!tpu.dma_semaphore, #tpu.memory_space<semaphore_mem>>
      tpu.enqueue_indirect_dma source(%dma_start3A_213 : memref<128x128xbf16, #tpu.memory_space<vmem>>) target(%dma_start3A_219 : memref<10080x128xbf16, #tpu.memory_space<vmem_shared>>) offsets(%dma_start3A_216 : memref<128xi32, #tpu.memory_space<vmem>>) semaphore(%dma_start3A_221 : memref<!tpu.dma_semaphore, #tpu.memory_space<semaphore_mem>>) {add = true}
      %mul3A_222 = arith.constant 4 : i32
      %mul3A_223 = arith.muli %mul3A_222, %scan3A_85 : i32
      %add3A_224 = arith.constant 3 : i32
      %add3A_225 = arith.addi %mul3A_223, %add3A_224 : i32
      %add3A_226 = arith.constant 4 : i32
      %add3A_227 = arith.addi %add3A_225, %add3A_226 : i32
      %lt3A_228 = arith.constant 84 : i32
      %lt3A_229 = arith.cmpi slt, %add3A_227, %lt3A_228 : i32
      %convert_element_type3A_230 = arith.extui %lt3A_229 : i1 to i32
      %cond3A_231 = arith.constant 0 : i32
      %cond3A_232 = arith.cmpi ne, %convert_element_type3A_230, %cond3A_231 : i32
      scf.if %cond3A_232 {
        %add3A_313 = arith.constant 4 : i32
        %add3A_314 = arith.addi %add3A_225, %add3A_313 : i32
        %add3A_315 = arith.constant 3 : i32
        %add3A_316 = arith.addi %sub3A_95, %add3A_315 : i32
        %add3A_317 = arith.constant 3 : i32
        %add3A_318 = arith.addi %sub3A_95, %add3A_317 : i32
        %dma_start3A_319 = arith.constant 0 : i32
        %dma_start3A_320 = arith.constant 0 : i32
        %dma_start3A_321 = tpu.memref_slice %arg7[%add3A_316, %dma_start3A_319, %dma_start3A_320] : memref<8x128x128xbf16, #tpu.memory_space<vmem>> -> memref<1x128x128xbf16, #tpu.memory_space<vmem>>
        %dma_start3A_322 = tpu.memref_squeeze %dma_start3A_321 : memref<1x128x128xbf16, #tpu.memory_space<vmem>> -> memref<128x128xbf16, #tpu.memory_space<vmem>>
        %dma_start3A_323 = arith.constant 0 : i32
        %dma_start3A_324 = tpu.memref_slice %arg5[%add3A_314, %dma_start3A_323] : memref<84x128xi32, #tpu.memory_space<vmem>> -> memref<1x128xi32, #tpu.memory_space<vmem>>
        %dma_start3A_325 = tpu.memref_squeeze %dma_start3A_324 : memref<1x128xi32, #tpu.memory_space<vmem>> -> memref<128xi32, #tpu.memory_space<vmem>>
        %dma_start3A_326 = arith.constant 0 : i32
        %dma_start3A_327 = arith.constant 0 : i32
        %dma_start3A_328 = tpu.memref_slice %arg2[%dma_start3A_326, %dma_start3A_327] : memref<10000x128xbf16, #tpu.memory_space<hbm>> -> memref<10000x128xbf16, #tpu.memory_space<hbm>>
        %dma_start3A_329 = tpu.memref_slice %arg9[%add3A_318] : memref<8x!tpu.dma_semaphore, #tpu.memory_space<semaphore_mem>> -> memref<1x!tpu.dma_semaphore, #tpu.memory_space<semaphore_mem>>
        %dma_start3A_330 = tpu.memref_squeeze %dma_start3A_329 : memref<1x!tpu.dma_semaphore, #tpu.memory_space<semaphore_mem>> -> memref<!tpu.dma_semaphore, #tpu.memory_space<semaphore_mem>>
        tpu.enqueue_indirect_dma source(%dma_start3A_328 : memref<10000x128xbf16, #tpu.memory_space<hbm>>) target(%dma_start3A_322 : memref<128x128xbf16, #tpu.memory_space<vmem>>) offsets(%dma_start3A_325 : memref<128xi32, #tpu.memory_space<vmem>>) semaphore(%dma_start3A_330 : memref<!tpu.dma_semaphore, #tpu.memory_space<semaphore_mem>>)
      } else {
      }
      %add3A_233 = arith.constant 3 : i32
      %add3A_234 = arith.addi %mul3A_94, %add3A_233 : i32
      %add3A_235 = arith.constant 3 : i32
      %add3A_236 = arith.addi %mul3A_94, %add3A_235 : i32
      %dma_wait3A_237 = arith.constant 0 : i32
      %dma_wait3A_238 = arith.constant 0 : i32
      %dma_wait3A_239 = tpu.memref_slice %arg7[%add3A_234, %dma_wait3A_237, %dma_wait3A_238] : memref<8x128x128xbf16, #tpu.memory_space<vmem>> -> memref<1x128x128xbf16, #tpu.memory_space<vmem>>
      %dma_wait3A_240 = tpu.memref_squeeze %dma_wait3A_239 : memref<1x128x128xbf16, #tpu.memory_space<vmem>> -> memref<128x128xbf16, #tpu.memory_space<vmem>>
      %dma_wait3A_241 = arith.constant 0 : i32
      %dma_wait3A_242 = tpu.memref_slice %arg5[%add3A_225, %dma_wait3A_241] : memref<84x128xi32, #tpu.memory_space<vmem>> -> memref<1x128xi32, #tpu.memory_space<vmem>>
      %dma_wait3A_243 = tpu.memref_squeeze %dma_wait3A_242 : memref<1x128xi32, #tpu.memory_space<vmem>> -> memref<128xi32, #tpu.memory_space<vmem>>
      %dma_wait3A_244 = arith.constant 0 : i32
      %dma_wait3A_245 = arith.constant 0 : i32
      %dma_wait3A_246 = tpu.memref_slice %arg2[%dma_wait3A_244, %dma_wait3A_245] : memref<10000x128xbf16, #tpu.memory_space<hbm>> -> memref<10000x128xbf16, #tpu.memory_space<hbm>>
      %dma_wait3A_247 = tpu.memref_slice %arg9[%add3A_236] : memref<8x!tpu.dma_semaphore, #tpu.memory_space<semaphore_mem>> -> memref<1x!tpu.dma_semaphore, #tpu.memory_space<semaphore_mem>>
      %dma_wait3A_248 = tpu.memref_squeeze %dma_wait3A_247 : memref<1x!tpu.dma_semaphore, #tpu.memory_space<semaphore_mem>> -> memref<!tpu.dma_semaphore, #tpu.memory_space<semaphore_mem>>
      tpu.wait_indirect_dma semaphore(%dma_wait3A_248 : memref<!tpu.dma_semaphore, #tpu.memory_space<semaphore_mem>>) src(%dma_wait3A_246 : memref<10000x128xbf16, #tpu.memory_space<hbm>>) dst(%dma_wait3A_240 : memref<128x128xbf16, #tpu.memory_space<vmem>>)
      %add3A_249 = arith.constant 3 : i32
      %add3A_250 = arith.addi %mul3A_94, %add3A_249 : i32
      %add3A_251 = arith.constant 3 : i32
      %add3A_252 = arith.addi %mul3A_94, %add3A_251 : i32
      %dma_start3A_253 = arith.constant 0 : i32
      %dma_start3A_254 = arith.constant 0 : i32
      %dma_start3A_255 = tpu.memref_slice %arg7[%add3A_250, %dma_start3A_253, %dma_start3A_254] : memref<8x128x128xbf16, #tpu.memory_space<vmem>> -> memref<1x128x128xbf16, #tpu.memory_space<vmem>>
      %dma_start3A_256 = tpu.memref_squeeze %dma_start3A_255 : memref<1x128x128xbf16, #tpu.memory_space<vmem>> -> memref<128x128xbf16, #tpu.memory_space<vmem>>
      %dma_start3A_257 = arith.constant 0 : i32
      %dma_start3A_258 = tpu.memref_slice %arg6[%add3A_225, %dma_start3A_257] : memref<84x128xi32, #tpu.memory_space<vmem>> -> memref<1x128xi32, #tpu.memory_space<vmem>>
      %dma_start3A_259 = tpu.memref_squeeze %dma_start3A_258 : memref<1x128xi32, #tpu.memory_space<vmem>> -> memref<128xi32, #tpu.memory_space<vmem>>
      %dma_start3A_260 = arith.constant 0 : i32
      %dma_start3A_261 = arith.constant 0 : i32
      %dma_start3A_262 = tpu.memref_slice %arg8[%dma_start3A_260, %dma_start3A_261] : memref<10080x128xbf16, #tpu.memory_space<vmem_shared>> -> memref<10080x128xbf16, #tpu.memory_space<vmem_shared>>
      %dma_start3A_263 = tpu.memref_slice %arg10[%add3A_252] : memref<8x!tpu.dma_semaphore, #tpu.memory_space<semaphore_mem>> -> memref<1x!tpu.dma_semaphore, #tpu.memory_space<semaphore_mem>>
      %dma_start3A_264 = tpu.memref_squeeze %dma_start3A_263 : memref<1x!tpu.dma_semaphore, #tpu.memory_space<semaphore_mem>> -> memref<!tpu.dma_semaphore, #tpu.memory_space<semaphore_mem>>
      tpu.enqueue_indirect_dma source(%dma_start3A_256 : memref<128x128xbf16, #tpu.memory_space<vmem>>) target(%dma_start3A_262 : memref<10080x128xbf16, #tpu.memory_space<vmem_shared>>) offsets(%dma_start3A_259 : memref<128xi32, #tpu.memory_space<vmem>>) semaphore(%dma_start3A_264 : memref<!tpu.dma_semaphore, #tpu.memory_space<semaphore_mem>>) {add = true}
      %dma_wait3A_265 = arith.constant 0 : i32
      %dma_wait3A_266 = arith.constant 0 : i32
      %dma_wait3A_267 = tpu.memref_slice %arg7[%add3A_121, %dma_wait3A_265, %dma_wait3A_266] : memref<8x128x128xbf16, #tpu.memory_space<vmem>> -> memref<1x128x128xbf16, #tpu.memory_space<vmem>>
      %dma_wait3A_268 = tpu.memref_squeeze %dma_wait3A_267 : memref<1x128x128xbf16, #tpu.memory_space<vmem>> -> memref<128x128xbf16, #tpu.memory_space<vmem>>
      %dma_wait3A_269 = arith.constant 0 : i32
      %dma_wait3A_270 = tpu.memref_slice %arg6[%add3A_99, %dma_wait3A_269] : memref<84x128xi32, #tpu.memory_space<vmem>> -> memref<1x128xi32, #tpu.memory_space<vmem>>
      %dma_wait3A_271 = tpu.memref_squeeze %dma_wait3A_270 : memref<1x128xi32, #tpu.memory_space<vmem>> -> memref<128xi32, #tpu.memory_space<vmem>>
      %dma_wait3A_272 = arith.constant 0 : i32
      %dma_wait3A_273 = arith.constant 0 : i32
      %dma_wait3A_274 = tpu.memref_slice %arg8[%dma_wait3A_272, %dma_wait3A_273] : memref<10080x128xbf16, #tpu.memory_space<vmem_shared>> -> memref<10080x128xbf16, #tpu.memory_space<vmem_shared>>
      %dma_wait3A_275 = tpu.memref_slice %arg10[%add3A_123] : memref<8x!tpu.dma_semaphore, #tpu.memory_space<semaphore_mem>> -> memref<1x!tpu.dma_semaphore, #tpu.memory_space<semaphore_mem>>
      %dma_wait3A_276 = tpu.memref_squeeze %dma_wait3A_275 : memref<1x!tpu.dma_semaphore, #tpu.memory_space<semaphore_mem>> -> memref<!tpu.dma_semaphore, #tpu.memory_space<semaphore_mem>>
      tpu.wait_indirect_dma semaphore(%dma_wait3A_276 : memref<!tpu.dma_semaphore, #tpu.memory_space<semaphore_mem>>) src(%dma_wait3A_268 : memref<128x128xbf16, #tpu.memory_space<vmem>>) dst(%dma_wait3A_274 : memref<10080x128xbf16, #tpu.memory_space<vmem_shared>>)
      %dma_wait3A_277 = arith.constant 0 : i32
      %dma_wait3A_278 = arith.constant 0 : i32
      %dma_wait3A_279 = tpu.memref_slice %arg7[%add3A_164, %dma_wait3A_277, %dma_wait3A_278] : memref<8x128x128xbf16, #tpu.memory_space<vmem>> -> memref<1x128x128xbf16, #tpu.memory_space<vmem>>
      %dma_wait3A_280 = tpu.memref_squeeze %dma_wait3A_279 : memref<1x128x128xbf16, #tpu.memory_space<vmem>> -> memref<128x128xbf16, #tpu.memory_space<vmem>>
      %dma_wait3A_281 = arith.constant 0 : i32
      %dma_wait3A_282 = tpu.memref_slice %arg6[%add3A_139, %dma_wait3A_281] : memref<84x128xi32, #tpu.memory_space<vmem>> -> memref<1x128xi32, #tpu.memory_space<vmem>>
      %dma_wait3A_283 = tpu.memref_squeeze %dma_wait3A_282 : memref<1x128xi32, #tpu.memory_space<vmem>> -> memref<128xi32, #tpu.memory_space<vmem>>
      %dma_wait3A_284 = arith.constant 0 : i32
      %dma_wait3A_285 = arith.constant 0 : i32
      %dma_wait3A_286 = tpu.memref_slice %arg8[%dma_wait3A_284, %dma_wait3A_285] : memref<10080x128xbf16, #tpu.memory_space<vmem_shared>> -> memref<10080x128xbf16, #tpu.memory_space<vmem_shared>>
      %dma_wait3A_287 = tpu.memref_slice %arg10[%add3A_166] : memref<8x!tpu.dma_semaphore, #tpu.memory_space<semaphore_mem>> -> memref<1x!tpu.dma_semaphore, #tpu.memory_space<semaphore_mem>>
      %dma_wait3A_288 = tpu.memref_squeeze %dma_wait3A_287 : memref<1x!tpu.dma_semaphore, #tpu.memory_space<semaphore_mem>> -> memref<!tpu.dma_semaphore, #tpu.memory_space<semaphore_mem>>
      tpu.wait_indirect_dma semaphore(%dma_wait3A_288 : memref<!tpu.dma_semaphore, #tpu.memory_space<semaphore_mem>>) src(%dma_wait3A_280 : memref<128x128xbf16, #tpu.memory_space<vmem>>) dst(%dma_wait3A_286 : memref<10080x128xbf16, #tpu.memory_space<vmem_shared>>)
      %dma_wait3A_289 = arith.constant 0 : i32
      %dma_wait3A_290 = arith.constant 0 : i32
      %dma_wait3A_291 = tpu.memref_slice %arg7[%add3A_207, %dma_wait3A_289, %dma_wait3A_290] : memref<8x128x128xbf16, #tpu.memory_space<vmem>> -> memref<1x128x128xbf16, #tpu.memory_space<vmem>>
      %dma_wait3A_292 = tpu.memref_squeeze %dma_wait3A_291 : memref<1x128x128xbf16, #tpu.memory_space<vmem>> -> memref<128x128xbf16, #tpu.memory_space<vmem>>
      %dma_wait3A_293 = arith.constant 0 : i32
      %dma_wait3A_294 = tpu.memref_slice %arg6[%add3A_182, %dma_wait3A_293] : memref<84x128xi32, #tpu.memory_space<vmem>> -> memref<1x128xi32, #tpu.memory_space<vmem>>
      %dma_wait3A_295 = tpu.memref_squeeze %dma_wait3A_294 : memref<1x128xi32, #tpu.memory_space<vmem>> -> memref<128xi32, #tpu.memory_space<vmem>>
      %dma_wait3A_296 = arith.constant 0 : i32
      %dma_wait3A_297 = arith.constant 0 : i32
      %dma_wait3A_298 = tpu.memref_slice %arg8[%dma_wait3A_296, %dma_wait3A_297] : memref<10080x128xbf16, #tpu.memory_space<vmem_shared>> -> memref<10080x128xbf16, #tpu.memory_space<vmem_shared>>
      %dma_wait3A_299 = tpu.memref_slice %arg10[%add3A_209] : memref<8x!tpu.dma_semaphore, #tpu.memory_space<semaphore_mem>> -> memref<1x!tpu.dma_semaphore, #tpu.memory_space<semaphore_mem>>
      %dma_wait3A_300 = tpu.memref_squeeze %dma_wait3A_299 : memref<1x!tpu.dma_semaphore, #tpu.memory_space<semaphore_mem>> -> memref<!tpu.dma_semaphore, #tpu.memory_space<semaphore_mem>>
      tpu.wait_indirect_dma semaphore(%dma_wait3A_300 : memref<!tpu.dma_semaphore, #tpu.memory_space<semaphore_mem>>) src(%dma_wait3A_292 : memref<128x128xbf16, #tpu.memory_space<vmem>>) dst(%dma_wait3A_298 : memref<10080x128xbf16, #tpu.memory_space<vmem_shared>>)
      %dma_wait3A_301 = arith.constant 0 : i32
      %dma_wait3A_302 = arith.constant 0 : i32
      %dma_wait3A_303 = tpu.memref_slice %arg7[%add3A_250, %dma_wait3A_301, %dma_wait3A_302] : memref<8x128x128xbf16, #tpu.memory_space<vmem>> -> memref<1x128x128xbf16, #tpu.memory_space<vmem>>
      %dma_wait3A_304 = tpu.memref_squeeze %dma_wait3A_303 : memref<1x128x128xbf16, #tpu.memory_space<vmem>> -> memref<128x128xbf16, #tpu.memory_space<vmem>>
      %dma_wait3A_305 = arith.constant 0 : i32
      %dma_wait3A_306 = tpu.memref_slice %arg6[%add3A_225, %dma_wait3A_305] : memref<84x128xi32, #tpu.memory_space<vmem>> -> memref<1x128xi32, #tpu.memory_space<vmem>>
      %dma_wait3A_307 = tpu.memref_squeeze %dma_wait3A_306 : memref<1x128xi32, #tpu.memory_space<vmem>> -> memref<128xi32, #tpu.memory_space<vmem>>
      %dma_wait3A_308 = arith.constant 0 : i32
      %dma_wait3A_309 = arith.constant 0 : i32
      %dma_wait3A_310 = tpu.memref_slice %arg8[%dma_wait3A_308, %dma_wait3A_309] : memref<10080x128xbf16, #tpu.memory_space<vmem_shared>> -> memref<10080x128xbf16, #tpu.memory_space<vmem_shared>>
      %dma_wait3A_311 = tpu.memref_slice %arg10[%add3A_252] : memref<8x!tpu.dma_semaphore, #tpu.memory_space<semaphore_mem>> -> memref<1x!tpu.dma_semaphore, #tpu.memory_space<semaphore_mem>>
      %dma_wait3A_312 = tpu.memref_squeeze %dma_wait3A_311 : memref<1x!tpu.dma_semaphore, #tpu.memory_space<semaphore_mem>> -> memref<!tpu.dma_semaphore, #tpu.memory_space<semaphore_mem>>
      tpu.wait_indirect_dma semaphore(%dma_wait3A_312 : memref<!tpu.dma_semaphore, #tpu.memory_space<semaphore_mem>>) src(%dma_wait3A_304 : memref<128x128xbf16, #tpu.memory_space<vmem>>) dst(%dma_wait3A_310 : memref<10080x128xbf16, #tpu.memory_space<vmem_shared>>)
    }
    %scan3A_77 = arith.constant 21 : i32
    %barrier3A_78 = arith.constant 0 : index
    tpu.barrier barrier_id(%barrier3A_78)
    %scan3A_79 = arith.constant 0 : i32
    %scan3A_80 = arith.constant 0 : i32
    %scan3A_81 = arith.constant 8 : i32
    %scan3A_82 = arith.addi %scan3A_80, %scan3A_81 : i32
    %scan3A_83 = arith.constant 1 : i32
    scf.for %scan3A_85 = %scan3A_80 to %scan3A_82 step %scan3A_83  : i32 {
      %mul3A = arith.constant 16 : i32
      %mul3A_86 = arith.muli %mul3A, %scan3A_85 : i32
      %add3A = arith.addi %arg1, %mul3A_86 : i32
      %lt3A = arith.constant 125 : i32
      %lt3A_87 = arith.cmpi slt, %add3A, %lt3A : i32
      %convert_element_type3A = arith.extui %lt3A_87 : i1 to i32
      %cond3A = arith.constant 0 : i32
      %cond3A_88 = arith.cmpi ne, %convert_element_type3A, %cond3A : i32
      scf.if %cond3A_88 {
        %mul3A_89 = arith.constant 80 : i32
        %mul3A_90 = arith.muli %add3A, %mul3A_89 : i32
        %mul3A_91 = arith.constant 80 : i32
        %mul3A_92 = arith.muli %add3A, %mul3A_91 : i32
        "tpu.region"() ({
          %run_scoped3A_93 = tpu.sem_alloc : memref<!tpu.dma_semaphore, #tpu.memory_space<semaphore_mem>>
          %dma_start3A_94 = arith.constant 0 : i32
          %dma_start3A_95 = tpu.memref_slice %arg4[%arg0, %mul3A_92, %dma_start3A_94] : memref<2x10000x128xbf16, #tpu.memory_space<hbm>> -> memref<1x80x128xbf16, #tpu.memory_space<hbm>>
          %dma_start3A_96 = tpu.memref_squeeze %dma_start3A_95 : memref<1x80x128xbf16, #tpu.memory_space<hbm>> -> memref<80x128xbf16, #tpu.memory_space<hbm>>
          %dma_start3A_97 = arith.constant 0 : i32
          %dma_start3A_98 = tpu.memref_slice %arg8[%mul3A_90, %dma_start3A_97] : memref<10080x128xbf16, #tpu.memory_space<vmem_shared>> -> memref<80x128xbf16, #tpu.memory_space<vmem_shared>>
          tpu.enqueue_dma source(%dma_start3A_98 : memref<80x128xbf16, #tpu.memory_space<vmem_shared>>) target(%dma_start3A_96 : memref<80x128xbf16, #tpu.memory_space<hbm>>) target_semaphore(%run_scoped3A_93 : memref<!tpu.dma_semaphore, #tpu.memory_space<semaphore_mem>>)
          %dma_wait3A = arith.constant 0 : i32
          %dma_wait3A_99 = tpu.memref_slice %arg4[%arg0, %mul3A_92, %dma_wait3A] : memref<2x10000x128xbf16, #tpu.memory_space<hbm>> -> memref<1x80x128xbf16, #tpu.memory_space<hbm>>
          %dma_wait3A_100 = tpu.memref_squeeze %dma_wait3A_99 : memref<1x80x128xbf16, #tpu.memory_space<hbm>> -> memref<80x128xbf16, #tpu.memory_space<hbm>>
          %dma_wait3A_101 = arith.constant 0 : i32
          %dma_wait3A_102 = tpu.memref_slice %arg8[%mul3A_90, %dma_wait3A_101] : memref<10080x128xbf16, #tpu.memory_space<vmem_shared>> -> memref<80x128xbf16, #tpu.memory_space<vmem_shared>>
          tpu.wait_dma2 semaphore(%run_scoped3A_93 : memref<!tpu.dma_semaphore, #tpu.memory_space<semaphore_mem>>) src(%dma_wait3A_102 : memref<80x128xbf16, #tpu.memory_space<vmem_shared>>) dst(%dma_wait3A_100 : memref<80x128xbf16, #tpu.memory_space<hbm>>)
          tpu.yield
        }) : () -> ()
      } else {
      }
    }
    %scan3A_84 = arith.constant 8 : i32
    return
  }
}

module attributes {stable_mosaic.version = 14 : i64} {
  func.func @_tc_body(%arg0: i32, %arg1: memref<1000x128xf32, #tpu.memory_space<vmem>>, %arg2: memref<1x1000x128xbf16, #tpu.memory_space<vmem>>, %arg3: memref<1x1000x128xbf16, #tpu.memory_space<vmem>>, %arg4: memref<1000x1xf32, #tpu.memory_space<vmem>>, %arg5: memref<128x128xf32, #tpu.memory_space<vmem>>, %arg6: memref<128x128xf32, #tpu.memory_space<vmem>>, %arg7: memref<1x128xf32, #tpu.memory_space<vmem>>, %arg8: memref<1x128xf32, #tpu.memory_space<vmem>>, %arg9: memref<1000x256xf32, #tpu.memory_space<vmem>>) attributes {dimension_semantics = [#tpu.dimension_semantics<arbitrary>], iteration_bounds = array<i64: 10>, scalar_prefetch = 0 : i64, scratch_operands = 0 : i64, tpu.core_type = #tpu.core_type<tc>, window_params = [{transform_indices = @transform_0, window_bounds = array<i64: 1000, 128>}, {transform_indices = @transform_1, window_bounds = array<i64: 1, 1000, 128>}, {transform_indices = @transform_2, window_bounds = array<i64: 1, 1000, 128>}, {transform_indices = @transform_3, window_bounds = array<i64: 1000, 1>}, {pipeline_mode = #tpu.pipeline_mode<synchronous>, transform_indices = @transform_4, window_bounds = array<i64: 128, 128>}, {pipeline_mode = #tpu.pipeline_mode<synchronous>, transform_indices = @transform_5, window_bounds = array<i64: 128, 128>}, {pipeline_mode = #tpu.pipeline_mode<synchronous>, transform_indices = @transform_6, window_bounds = array<i64: 1, 128>}, {pipeline_mode = #tpu.pipeline_mode<synchronous>, transform_indices = @transform_7, window_bounds = array<i64: 1, 128>}, {transform_indices = @transform_8, window_bounds = array<i64: 1000, 256>}]} {
    %get3A = arith.constant 0 : index
    %get3A_0 = arith.constant 0 : index
    %get3A_1 = vector.load %arg1[%get3A, %get3A_0] : memref<1000x128xf32, #tpu.memory_space<vmem>>, vector<1000x128xf32>
    %get3A_2 = arith.constant 0 : index
    %get3A_3 = arith.constant 0 : index
    %get3A_4 = vector.load %arg5[%get3A_2, %get3A_3] : memref<128x128xf32, #tpu.memory_space<vmem>>, vector<128x128xf32>
    %dot_general3A = arith.constant dense<0.000000e+00> : vector<1000x128xf32>
    %dot_general3A_5 = tpu.matmul %get3A_1, %get3A_4, %dot_general3A {dimension_numbers = #tpu.dot_dimension_numbers<[1], [0], [0], [1], [0, 0, 1, 1], [], []>, transpose_lhs_hint = false} : vector<1000x128xf32>, vector<128x128xf32>, vector<1000x128xf32> -> vector<1000x128xf32>
    %get3A_6 = arith.constant 0 : index
    %get3A_7 = arith.constant 0 : index
    %get3A_8 = vector.load %arg7[%get3A_6, %get3A_7] : memref<1x128xf32, #tpu.memory_space<vmem>>, vector<1x128xf32>
    %add3A = vector.broadcast %get3A_8 : vector<1x128xf32> to vector<1000x128xf32>
    %add3A_9 = arith.addf %dot_general3A_5, %add3A : vector<1000x128xf32>
    %get3A_10 = arith.constant 0 : index
    %get3A_11 = arith.constant 0 : index
    %get3A_12 = arith.constant 0 : index
    %get3A_13 = vector.load %arg2[%get3A_10, %get3A_11, %get3A_12] : memref<1x1000x128xbf16, #tpu.memory_space<vmem>>, vector<1x1000x128xbf16>
    %get3A_14 = vector.shape_cast %get3A_13 : vector<1x1000x128xbf16> to vector<1000x128xbf16>
    %convert_element_type3A = arith.extf %get3A_14 : vector<1000x128xbf16> to vector<1000x128xf32>
    %get3A_15 = arith.constant 0 : index
    %get3A_16 = arith.constant 0 : index
    %get3A_17 = arith.constant 0 : index
    %get3A_18 = vector.load %arg3[%get3A_15, %get3A_16, %get3A_17] : memref<1x1000x128xbf16, #tpu.memory_space<vmem>>, vector<1x1000x128xbf16>
    %get3A_19 = vector.shape_cast %get3A_18 : vector<1x1000x128xbf16> to vector<1000x128xbf16>
    %convert_element_type3A_20 = arith.extf %get3A_19 : vector<1000x128xbf16> to vector<1000x128xf32>
    %add3A_21 = arith.addf %convert_element_type3A, %convert_element_type3A_20 : vector<1000x128xf32>
    %get3A_22 = arith.constant 0 : index
    %get3A_23 = arith.constant 0 : index
    %get3A_24 = vector.load %arg4[%get3A_22, %get3A_23] : memref<1000x1xf32, #tpu.memory_space<vmem>>, vector<1000x1xf32>
    %mul3A = vector.broadcast %get3A_24 : vector<1000x1xf32> to vector<1000x128xf32>
    %mul3A_25 = arith.mulf %add3A_21, %mul3A : vector<1000x128xf32>
    %get3A_26 = arith.constant 0 : index
    %get3A_27 = arith.constant 0 : index
    %get3A_28 = vector.load %arg6[%get3A_26, %get3A_27] : memref<128x128xf32, #tpu.memory_space<vmem>>, vector<128x128xf32>
    %dot_general3A_29 = arith.constant dense<0.000000e+00> : vector<1000x128xf32>
    %dot_general3A_30 = tpu.matmul %mul3A_25, %get3A_28, %dot_general3A_29 {dimension_numbers = #tpu.dot_dimension_numbers<[1], [0], [0], [1], [0, 0, 1, 1], [], []>, transpose_lhs_hint = false} : vector<1000x128xf32>, vector<128x128xf32>, vector<1000x128xf32> -> vector<1000x128xf32>
    %get3A_31 = arith.constant 0 : index
    %get3A_32 = arith.constant 0 : index
    %get3A_33 = vector.load %arg8[%get3A_31, %get3A_32] : memref<1x128xf32, #tpu.memory_space<vmem>>, vector<1x128xf32>
    %add3A_34 = vector.broadcast %get3A_33 : vector<1x128xf32> to vector<1000x128xf32>
    %add3A_35 = arith.addf %dot_general3A_30, %add3A_34 : vector<1000x128xf32>
    %swap3A = arith.constant 0 : index
    %swap3A_36 = arith.constant 0 : index
    %swap3A_37 = vector.load %arg9[%swap3A, %swap3A_36] : memref<1000x256xf32, #tpu.memory_space<vmem>>, vector<1000x128xf32>
    tpu.vector_store %arg9[%swap3A, %swap3A_36], %add3A_9 {strides = array<i32>} : memref<1000x256xf32, #tpu.memory_space<vmem>>, vector<1000x128xf32>,
    %swap3A_38 = arith.constant 0 : index
    %swap3A_39 = arith.constant 128 : index
    %swap3A_40 = vector.load %arg9[%swap3A_38, %swap3A_39] : memref<1000x256xf32, #tpu.memory_space<vmem>>, vector<1000x128xf32>
    tpu.vector_store %arg9[%swap3A_38, %swap3A_39], %add3A_35 {strides = array<i32>} : memref<1000x256xf32, #tpu.memory_space<vmem>>, vector<1000x128xf32>,
    return
  }
  func.func @transform_0(%arg0: i32) -> (i32, i32) {
    %c0_i32 = arith.constant 0 : i32
    %c0_i32_0 = arith.constant 0 : i32
    return %arg0, %c0_i32 : i32, i32
  }
  func.func @transform_1(%arg0: i32) -> (i32, i32, i32) {
    %c0_i32 = arith.constant 0 : i32
    %c0_i32_0 = arith.constant 0 : i32
    %c0_i32_1 = arith.constant 0 : i32
    return %c0_i32, %arg0, %c0_i32_0 : i32, i32, i32
  }
  func.func @transform_2(%arg0: i32) -> (i32, i32, i32) {
    %c1_i32 = arith.constant 1 : i32
    %c0_i32 = arith.constant 0 : i32
    %c0_i32_0 = arith.constant 0 : i32
    return %c1_i32, %arg0, %c0_i32 : i32, i32, i32
  }
  func.func @transform_3(%arg0: i32) -> (i32, i32) {
    %c0_i32 = arith.constant 0 : i32
    %c0_i32_0 = arith.constant 0 : i32
    return %arg0, %c0_i32 : i32, i32
  }
  func.func @transform_4(%arg0: i32) -> (i32, i32) {
    %c0_i32 = arith.constant 0 : i32
    %c0_i32_0 = arith.constant 0 : i32
    %c0_i32_1 = arith.constant 0 : i32
    return %c0_i32, %c0_i32_0 : i32, i32
  }
  func.func @transform_5(%arg0: i32) -> (i32, i32) {
    %c0_i32 = arith.constant 0 : i32
    %c0_i32_0 = arith.constant 0 : i32
    %c0_i32_1 = arith.constant 0 : i32
    return %c0_i32, %c0_i32_0 : i32, i32
  }
  func.func @transform_6(%arg0: i32) -> (i32, i32) {
    %c0_i32 = arith.constant 0 : i32
    %c0_i32_0 = arith.constant 0 : i32
    %c0_i32_1 = arith.constant 0 : i32
    return %c0_i32, %c0_i32_0 : i32, i32
  }
  func.func @transform_7(%arg0: i32) -> (i32, i32) {
    %c0_i32 = arith.constant 0 : i32
    %c0_i32_0 = arith.constant 0 : i32
    %c0_i32_1 = arith.constant 0 : i32
    return %c0_i32, %c0_i32_0 : i32, i32
  }
  func.func @transform_8(%arg0: i32) -> (i32, i32) {
    %c0_i32 = arith.constant 0 : i32
    %c0_i32_0 = arith.constant 0 : i32
    return %arg0, %c0_i32 : i32, i32
  }
}

</mosaic_0001>

<sc_bundles>
// kernel: kernel.4.cloned.1.call-start
scs
__scs_entry_jumppad:
0x0: {  	(pc) =	sbr.rel $0x88, $3  }
0x1: {  	(tag) =	ssettag $0x0;
	lr =	simm.s32 $0x1  }
0x2: {  	[smem:$0x3F9A] =	sst lr;
	_ =	strace $0xD0000000  }
0x3: {  	_ = 	snop  }
0x4: {  	_ = 	snop  }
0x5: {  	_ = 	snop  }
0x6: {  	_ = 	snop  }
0x7: {  	_ = 	snop  }
__scs_overlays_trampoline_lowered:
0x8: {  	[smem:$0x3FA9] =	sst s0  }
0x9: {  	[smem:$0x3FAA] =	sst s1  }
0xa: {  	[smem:$0x3FAB] =	sst s2  }
0xb: {  	[smem:$0x3FAC] =	sst s3  }
0xc: {  	[smem:$0x3FAD] =	sst s4  }
0xd: {  	[smem:$0x3FAE] =	sst s5  }
0xe: {  	[smem:$0x3FAF] =	sst s6  }
0xf: {  	[smem:$0x3FB0] =	sst s7  }
0x10: {  	[smem:$0x3FB1] =	sst s8  }
0x11: {  	[smem:$0x3FB2] =	sst s9;
	s0 =	simm.s32 @!p0 $0x0  }
0x12: {  	s1 =	sld [smem:$0x3F98];
	s0 =	simm.s32 @p0 $0x1  }
0x13: {  	[smem:$0x3FB3] =	sst s0;
	s0 =	simm.s32 @!p1 $0x0  }
0x14: {  	s2 =	sld [smem:$0x3F97];
	s0 =	simm.s32 @p1 $0x1  }
0x15: {  	[smem:$0x3FB4] =	sst s0;
	s0 =	simm.s32 @!p2 $0x0  }
0x16: {  	s3 =	sld [smem:$0x3FDB];
	s0 =	simm.s32 @p2 $0x1  }
0x17: {  	s4 =	simm.s32 $0x1BF5;
	[smem:$0x3FB6] =	sst s0  }
0x18: {  	s0 =	sld [smem:$0x3F99];
	_ =	swait.ge [sflag:s4], $0x0  }
0x19: {  	s7 =	sld [smem:$0x3F9A]  }
0x1a: {  	s8 =	sadd.s32 $0xFFFFE003, lr  }
0x1b: {  	s9 =	sadd.s32 $0xFFFFFEF7, lr;
	s5 =	simm.s32 $0xFFFFFFFF;
	p2 =	slt.u32 s8, $0xFFFFF086  }
0x1c: {  	p1 =	slt.u32 s9, $0xF7A;
	s5 =	simm.s32 @!p2 $0x0  }
0x1d: {  	s5 =	simm.s32 @p1 $0x1;
	p0 =	seq.s32 s7, s2  }
0x1e: {  	s7 =	smul.u32 @!p0 $0xF7A, s2;
	p2 =	seq.s32 @!p0 s5, $0x0  }
0x1f: {  	s9 =	smul.u32 $0xF7A, s1;
	s8 =	simm.s32 @!p0 $0x1BF5;
	p2 =	por !p2, p0  }
0x20: {  	[sflag:s8] =	ssyncset.s32 @!p0 $0xFFFFF086;
	s6 =	sadd.s32 @!p0 s3, s7;
	s7 =	simm.s32 @!p0 $0x108  }
0x21: {  	s3 =	sadd.s32 s3, s9;
	s6 =	sadd.s32 @!p0 $0x88, s6;
	s7 =	simm.s32 @p2 $0x1082  }
0x22: {  	[simem:s7], [sflag:s8] =	dma.local @!p0 [hbm:s6], $0xF7A  }
0x23: {  	s9 =	sor.u32 $0xD0000000, s2;
	s6 =	simm.s32 $0x108;
	_ =	swait.ge @!p0 [sflag:s8], $0x0  }
0x24: {  	s3 =	sadd.s32 $0x88, s3;
	s6 =	simm.s32 @!p1 $0x1082;
	[sflag:s4] =	ssyncset.s32 $0xFFFFF086  }
0x25: {  	[simem:s6], [sflag:s4] =	dma.local [hbm:s3], $0xF7A  }
0x26: {  	[smem:$0x3F9A] =	sst s1;
	(tag) =	ssettag s2;
	_ =	strace s9  }
0x27: {  	s1 =	sld [smem:$0x3FAA]  }
0x28: {  	s2 =	sld [smem:$0x3FAB]  }
0x29: {  	s4 =	sld [smem:$0x3FAD]  }
0x2a: {  	p0 =	seq.s32 s5, $0x0;
	s5 =	sld [smem:$0x3FAE]  }
0x2b: {  	s6 =	sld [smem:$0x3FAF]  }
0x2c: {  	s7 =	sld [smem:$0x3FB0]  }
0x2d: {  	s3 =	simm.s32 $0x108;
	s8 =	sld [smem:$0x3FB1]  }
0x2e: {  	s3 =	simm.s32 @!p0 $0x1082;
	s9 =	sld [smem:$0x3FB2]  }
0x2f: {  	lr =	sadd.s32 s0, s3;
	s0 =	sld [smem:$0x3FA9]  }
0x30: {  	s3 =	sld [smem:$0x3FAC]  }
0x31: {  	[smem:$0x3FB5] =	sst s10  }
0x32: {  	s10 =	sld [smem:$0x3FB3];
	_ =	sdelay $0x3  }
0x33: {  	p0 =	seq.s32 s10, $0x1;
	s10 =	sld [smem:$0x3FB5];
	_ =	sdelay $0x3  }
0x34: {  	[smem:$0x3FB5] =	sst s10  }
0x35: {  	s10 =	sld [smem:$0x3FB4];
	_ =	sdelay $0x3  }
0x36: {  	p1 =	seq.s32 s10, $0x1;
	s10 =	sld [smem:$0x3FB5];
	_ =	sdelay $0x3  }
0x37: {  	[smem:$0x3FB5] =	sst s10  }
0x38: {  	s10 =	sld [smem:$0x3FB6]  }
0x39: {  	_ = 	snop;
	(pc) =	sbr.ind lr, $3  }
0x3a: {  	_ = 	snop  }
0x3b: {  	_ = 	snop  }
0x3c: {  	p2 =	seq.s32 s10, $0x1;
	s10 =	sld [smem:$0x3FB5]  }
0x3d: {  	_ =	shalt  }
0x3e: {  	_ =	shalt  }
0x3f: {  	_ =	shalt  }
0x40: {  	_ =	shalt  }
0x41: {  	_ =	shalt  }
0x42: {  	_ =	shalt  }
0x43: {  	_ =	shalt  }
0x44: {  	_ =	shalt  }
0x45: {  	_ =	shalt  }
0x46: {  	_ =	shalt  }
0x47: {  	_ =	shalt  }
0x48: {  	_ =	shalt  }
0x49: {  	_ =	shalt  }
0x4a: {  	_ =	shalt  }
0x4b: {  	_ =	shalt  }
0x4c: {  	_ =	shalt  }
0x4d: {  	_ =	shalt  }
0x4e: {  	_ =	shalt  }
0x4f: {  	_ =	shalt  }
0x50: {  	_ =	shalt  }
0x51: {  	_ =	shalt  }
0x52: {  	_ =	shalt  }
0x53: {  	_ =	shalt  }
0x54: {  	_ =	shalt  }
0x55: {  	_ =	shalt  }
0x56: {  	_ =	shalt  }
0x57: {  	_ =	shalt  }
0x58: {  	_ =	shalt  }
0x59: {  	_ =	shalt  }
0x5a: {  	_ =	shalt  }
0x5b: {  	_ =	shalt  }
0x5c: {  	_ =	shalt  }
0x5d: {  	_ =	shalt  }
0x5e: {  	_ =	shalt  }
0x5f: {  	_ =	shalt  }
0x60: {  	_ =	shalt  }
0x61: {  	_ =	shalt  }
0x62: {  	_ =	shalt  }
0x63: {  	_ =	shalt  }
0x64: {  	_ =	shalt  }
0x65: {  	_ =	shalt  }
0x66: {  	_ =	shalt  }
0x67: {  	_ =	shalt  }
0x68: {  	_ =	shalt  }
0x69: {  	_ =	shalt  }
0x6a: {  	_ =	shalt  }
0x6b: {  	_ =	shalt  }
0x6c: {  	_ =	shalt  }
0x6d: {  	_ =	shalt  }
0x6e: {  	_ =	shalt  }
0x6f: {  	_ =	shalt  }
0x70: {  	_ =	shalt  }
0x71: {  	_ =	shalt  }
0x72: {  	_ =	shalt  }
0x73: {  	_ =	shalt  }
0x74: {  	_ =	shalt  }
0x75: {  	_ =	shalt  }
0x76: {  	_ =	shalt  }
0x77: {  	_ =	shalt  }
0x78: {  	_ =	shalt  }
0x79: {  	_ =	shalt  }
0x7a: {  	_ =	shalt  }
0x7b: {  	_ =	shalt  }
0x7c: {  	_ =	shalt  }
0x7d: {  	_ =	shalt  }
0x7e: {  	_ =	shalt  }
0x7f: {  	_ =	shalt  }
0x80: {  	_ =	shalt  }
0x81: {  	_ =	shalt  }
0x82: {  	_ =	shalt  }
0x83: {  	_ =	shalt  }
0x84: {  	_ =	shalt  }
0x85: {  	_ =	shalt  }
0x86: {  	_ =	shalt  }
0x87: {  	_ =	shalt  }
.Lfunc_end0:
.L_simem_size_0:
called_computation_lowered:
.L_overlay_start_0:
0x88: {  	s2 =	sld [smem:$0x3FD9]  }
0x89: {  	s3 =	sld [smem:$0x3FFE];
	_ =	sdelay $0x1  }
0x8a: {  	s1 =	srdreg.scid  }
0x8b: {  	s0 =	sand.u32 $0x1, s1  }
0x8c: {  	s17 =	sshll.u32 s0, $0xA;
	s2 =	sadd.s32 s3, s2  }
0x8d: {  	s2 =	sadd.s32 s2, s17  }
0x8e: {  	[smem:$0x3FC1] =	sst s2  }
0x8f: {  	_ = 	snop  }
0x90: {  	s2 =	sld [smem:$0x3FD0];
	(tm) =	ssettm $0x1  }
0x91: {  	s18 =	sld [smem:$0x3FFB];
	_ =	sdelay $0x3  }
0x92: {  	_ =	strace s18  }
0x93: {  	s3 =	sld [smem:$0x3FFC];
	_ =	sdelay $0x3  }
0x94: {  	_ =	strace s3  }
0x95: {  	s3 =	sld [smem:$0x3FFD];
	_ =	sdelay $0x3  }
0x96: {  	_ =	strace s3  }
0x97: {  	_ =	strace $0x8FFFFFFF  }
0x98: {  	s19 =	sld [smem:$0x3FDB];
	_ =	sdelay $0x1  }
0x99: {  	s4 =	simm.s32 $_scs_section_size  }
0x9a: {  	s5 =	simm.s32 $_size__tile_overlayer_lowered;
	s6 =	simm.s32 $_tile_overlayer_lowered  }
0x9b: {  	s22 =	simm.s32 $0x1BFF;
	s21 =	sshll.u32 s6, $0x1;
	s3 =	sadd.s32 s4, s19  }
0x9c: {  	s7 =	simm.s32 $0x0;
	s20 =	sshll.u32 s5, $0x1;
	s5 =	sadd.s32 s21, s3  }
0x9d: {  	[timem:s7], [sflag:s22] =	dma.local [hbm:s5], s20  }
0x9e: {  	_ =	swait.ge [sflag:s22], s20  }
0x9f: {  	s4 =	ssub.s32 $0x0, s20;
	[sflag:s22] =	ssyncset.done $0x0  }
0xa0: {  	[sflag:s22] =	ssyncadd.s32 s4;
	_ =	sdelay $0x1  }
0xa1: {  	s23 =	simm.s32 $0x1B8B  }
0xa2: {  	_ =	swait.ge [sflag:s23], $0x1  }
0xa3: {  	[sflag:s23] =	ssyncset.done $0x0  }
0xa4: {  	s25 =	simm.s32 $0x1B8E;
	s24 =	sld [smem:$0x3FFE];
	[sflag:s23] =	ssyncadd.s32 $0xFFFFFFFF  }
0xa5: {  	s26 =	simm.s32 $execute0_lowered;
	[smem:$0x3FD2] =	sst s25  }
0xa6: {  	s5 =	sshll.u32 s26, $0x1;
	_ =	strace $0x80000046;
	[dreg:$0x1] =	wrdreg $0xFFFFFFFF  }
0xa7: {  	s28 =	simm.s32 $_size_execute0_lowered;
	s3 =	sadd.s32 s3, s5;
	[dreg:$0x0] =	wrdreg $0x0  }
0xa8: {  	s5 =	sshll.u32 s28, $0x1;
	[dreg:$0x2] =	wrdreg s3  }
0xa9: {  	[dreg:$0x3] =	wrdreg s5  }
0xaa: {  	[dreg:$0x4] =	wrdreg $0xC0  }
0xab: {  	_ =	task [dreg:s7], $0x5FFFF  }
0xac: {  	[dreg:$0x1] =	wrdreg $0xFFFFFFFF  }
0xad: {  	[dreg:$0x0] =	wrdreg $0x60  }
0xae: {  	[dreg:$0x2] =	wrdreg s24  }
0xaf: {  	[dreg:$0x3] =	wrdreg s2  }
0xb0: {  	[dreg:$0x4] =	wrdreg $0x154000  }
0xb1: {  	[dreg:$0x5] =	wrdreg $0x9  }
0xb2: {  	_ =	task.clear_ibuf [dreg:s7], $0x6FFFF;
	_ =	strace $0x90000046  }
0xb3: {  	s29 =	simm.s32 $0x9;
	_ =	strace $0x80000048  }
0xb4: {  	_ =	swait.ge [sflag:s29], $0x1  }
0xb5: {  	[sflag:s29] =	ssyncadd.s32 $0xFFFFFFFF  }
0xb6: {  	_ =	strace $0x90000048  }
0xb7: {  	_ =	sfence  }
0xb8: {  	s30 =	sld [smem:$0x0];
	_ =	sdelay $0x2  }
0xb9: {  	s31 =	sshll.u32 s1, $0xD;
	s1 =	sshrl.u32 s1, $0x2  }
0xba: {  	s3 =	sand.u32 $0x4000, s31;
	s1 =	sadd.s32 s1, s30  }
0xbb: {  	s0 =	sor.u32 s3, s0;
	s1 =	sshll.u32 s1, $0x11  }
0xbc: {  	s0 =	sor.u32 s1, s0  }
0xbd: {  	s0 =	sadd.s32 $0x8F2B, s0  }
0xbe: {  	[sflag:s0] =	ssyncadd.remote.s32 $0x1  }
0xbf: {  	_ =	sfence.sel $0xFFFF  }
0xc0: {  	[dreg:$0x0] =	wrdreg $0xFFFFFFFF;
	(pc) =	sbr.abs _section_cstart, $3  }
0xc1: {  	[dreg:$0x1] =	wrdreg $0xFFFFFFFF  }
0xc2: {  	_ =	task.clear_ibuf [dreg:s7], $0x2FFFF;
	_ =	strace $0x9FFFFFFF  }
0xc3: {  	(tm) =	ssettm $0x7FFFFFFF  }
tec
execute0_lowered:
.L_overlay_start_1:
0x0: {  	(tag) =	ssettag $0x1  }
0x1: {  	s0 =	srdreg.scid;
	s6 =	rddreg [dreg:$0x1]  }
0x2: {  	s21 =	stileid.u32;
	s4 =	simm.s32 $0x0;
	s31 =	rddreg [dreg:$0x0]  }
0x3: {  	s0 =	sand.u32 $0x1, s0;
	s2 =	smul.u32 $0x2A00, s21;
	[smem:$0x7FF] =	sst s4  }
0x4: {  	s11 =	sor.u32 $0x10, s21;
	s12 =	sor.u32 $0x20, s21;
	s13 =	sor.u32 $0x30, s21  }
0x5: {  	s14 =	sor.u32 $0x40, s21;
	s15 =	sor.u32 $0x50, s21;
	s1 =	smul.u32 $0x2A000, s0  }
0x6: {  	s16 =	sor.u32 $0x60, s21;
	s17 =	sor.u32 $0x70, s21;
	s9 =	smul.u32 $0x138800, s0  }
0x7: {  	s3 =	ssub.s32 $0x2, s0;
	s0 =	smul.u32 $0x2800, s21;
	p0 =	sgt.u32 s17, $0x7D  }
0x8: {  	s19 =	sshrl.u32 s3, $0x1;
	s7 =	sadd.s32 s2, s1;
	s2 =	smul.u32 $0x2800, s11  }
0x9: {  	p1 =	sgt.u32 s17, $0x7C;
	s8 =	ssub.s32 s3, s19;
	s1 =	smul.u32 $0x2800, s12  }
0xa: {  	s20 =	sadd.s32 s9, s0;
	s3 =	smul.u32 $0x2800, s13;
	s0 =	sshrl.u32 s0, $0x1  }
0xb: {  	s22 =	sshrl.u32 s20, $0x4;
	s20 =	smul.u32 $0x2800, s17;
	s7 =	sshrl.u32 s7, $0x3  }
0xc: {  	s8 =	smax.u32 s8, $0x1;
	s17 =	smul.u32 $0x5000, s17;
	s5 =	sadd.s32 s9, s2  }
0xd: {  	s4 =	sadd.s32 s6, s22;
	s23 =	sadd.s32 s9, s1;
	s18 =	sadd.s32 s9, s3  }
0xe: {  	s22 =	smul.u32 $0x5000, s12;
	s7 =	sadd.s32 s7, s31;
	s12 =	sadd.s32 $0x1800, s31  }
0xf: {  	s2 =	sshrl.u32 s2, $0x1;
	s1 =	sshrl.u32 s1, $0x1;
	s3 =	sshrl.u32 s3, $0x1  }
0x10: {  	[dreg:$0x4] =	wrdreg s4;
	s10 =	sshrl.u32 s5, $0x4;
	s5 =	smul.u32 $0x2800, s14  }
0x11: {  	s19 =	sshrl.u32 s23, $0x4;
	s18 =	sshrl.u32 s18, $0x4;
	s10 =	sadd.s32 s6, s10  }
0x12: {  	s4 =	smul.u32 $0x2800, s15;
	s24 =	sadd.s32 s6, s19;
	[dreg:$0x5] =	wrdreg s10  }
0x13: {  	s23 =	smul.u32 $0x5000, s21;
	s25 =	sadd.s32 s6, s18;
	[dreg:$0x6] =	wrdreg s24  }
0x14: {  	s19 =	smul.u32 $0x2800, s16;
	[dreg:$0x7] =	wrdreg s25;
	s26 =	sadd.s32 s9, s5  }
0x15: {  	s28 =	sadd.s32 s9, s4;
	s24 =	sadd.s32 $0x15200, s7;
	s7 =	sadd.s32 $0x1FA00, s7  }
0x16: {  	s25 =	smul.u32 $0x5000, s13;
	s5 =	sshrl.u32 s5, $0x1;
	s4 =	sshrl.u32 s4, $0x1  }
0x17: {  	s13 =	simm.s32 $0x9;
	s10 =	sshrl.u32 s26, $0x4;
	s18 =	sshrl.u32 s28, $0x4  }
0x18: {  	s30 =	sadd.s32 s9, s19;
	s9 =	sadd.s32 s9, s20;
	s10 =	sadd.s32 s6, s10  }
0x19: {  	s29 =	sadd.s32 s6, s18;
	[dreg:$0x8] =	wrdreg s10;
	s10 =	sshrl.u32 s30, $0x4  }
0x1a: {  	s26 =	sshrl.u32 s23, $0x2;
	[dreg:$0x9] =	wrdreg s29;
	s10 =	sadd.s32 s6, s10  }
0x1b: {  	s28 =	smul.u32 $0x5000, s14;
	s9 =	sshrl.u32 s9, $0x4;
	[dreg:$0xa] =	wrdreg s10  }
0x1c: {  	s29 =	smul.u32 $0x5000, s15;
	s6 =	sadd.s32 s6, s9;
	s10 =	rddreg [dreg:$0x2]  }
0x1d: {  	s23 =	sshrl.u32 s19, $0x1;
	s30 =	smul.u32 $0x5000, s16;
	[dreg:$0xb] =	wrdreg s6  }
0x1e: {  	s14 =	sshrl.u32 s28, $0x2;
	_ =	strace $0x80000047;
	[dreg:$0xc] =	wrdreg s24  }
0x1f: {  	s9 =	smul.u32 $0x5000, s11;
	s11 =	simm.s32 $0x4;
	[dreg:$0xd] =	wrdreg s7  }
0x20: {  	s15 =	sshrl.u32 s29, $0x2;
	s16 =	sshrl.u32 s30, $0x2;
	[dreg:$0xe] =	wrdreg s8  }
0x21: {  	s8 =	sadd.s32 s26, s10;
	s6 =	sshrl.u32 s9, $0x2;
	s9 =	sshrl.u32 s22, $0x2  }
0x22: {  	s7 =	sshrl.u32 s25, $0x2;
	s18 =	sadd.s32 s15, s10;
	s21 =	sadd.s32 s16, s10  }
0x23: {  	s22 =	sshrl.u32 s17, $0x2;
	s0 =	sadd.s32 s0, s10;
	s2 =	sadd.s32 s2, s10  }
0x24: {  	s1 =	sadd.s32 s1, s10;
	s3 =	sadd.s32 s3, s10;
	[dreg:$0xf] =	wrdreg s8  }
0x25: {  	s5 =	sadd.s32 s5, s10;
	s24 =	sshrl.u32 s20, $0x1;
	[dreg:$0x14] =	wrdreg s18  }
0x26: {  	s4 =	sadd.s32 s4, s10;
	s6 =	sadd.s32 s6, s10;
	[dreg:$0x15] =	wrdreg s21  }
0x27: {  	s15 =	simm.s32 $0xB;
	s31 =	sadd.s32 s9, s10;
	[dreg:$0x10] =	wrdreg s6  }
0x28: {  	s16 =	simm.s32 $0xC;
	s9 =	sadd.s32 s7, s10;
	[dreg:$0x11] =	wrdreg s31  }
0x29: {  	s17 =	simm.s32 $0x0;
	s0 =	sshrl.u32 s0, $0x3;
	[dreg:$0x12] =	wrdreg s9  }
0x2a: {  	s7 =	sadd.s32 s24, s10;
	s25 =	sshrl.u32 s2, $0x3;
	[dreg:$0x17] =	wrdreg s0  }
0x2b: {  	s26 =	sshrl.u32 s1, $0x3;
	s28 =	sshrl.u32 s3, $0x3;
	[dreg:$0x18] =	wrdreg s25  }
0x2c: {  	s29 =	sshrl.u32 s5, $0x3;
	s30 =	sshrl.u32 s4, $0x3;
	[dreg:$0x19] =	wrdreg s26  }
0x2d: {  	s1 =	simm.s32 $0x11;
	s2 =	simm.s32 $0x80;
	[dreg:$0x1a] =	wrdreg s28  }
0x2e: {  	s4 =	simm.s32 $0x9400;
	s5 =	simm.s32 $0xB400;
	[dreg:$0x1b] =	wrdreg s29  }
0x2f: {  	s6 =	sadd.s32 s14, s10;
	[dreg:$0x1c] =	wrdreg s30;
	s8 =	sshrl.u32 @!p1 s7, $0x3  }
0x30: {  	s0 =	simm.s32 $0x5400;
	[dreg:$0x13] =	wrdreg s6;
	s6 =	sadd.s32 s22, s10  }
0x31: {  	s7 =	simm.s32 $0x2;
	[dreg:$0x16] =	wrdreg s6;
	s6 =	sadd.s32 s23, s10  }
0x32: {  	s9 =	simm.s32 $0x3;
	s14 =	simm.s32 $0xA;
	s31 =	sshrl.u32 s6, $0x3  }
0x33: {  	v0 =	vimm.bf16 $0.0e+00;
	s22 =	simm.s32 $0x7400;
	s6 =	simm.s32 $0x1;
	[dreg:$0x1d] =	wrdreg s31  }
.LBB2_1:
0x34: {  	s3 =	simm.s32 $0x0  }
0x35: {  	s18 =	sand.u32 $0x7F00, s3;
	s19 =	sand.u32 $0x60, s3  }
0x36: {  	s18 =	sshrl.u32 s18, $0x2;
	s19 =	sshrl.u32 s19, $0x1  }
0x37: {  	s19 =	sor.u32 s19, s18  }
0x38: {  	s18 =	simm.s32 $0x40;
	[tilespmem:s19+$0x5400] =	vst v0;
	s19 =	simm.s32 $0x0  }
.LBB2_2:
0x39: {  	p2 =	sne.s32 s18, $0x4FC0  }
.Ltmp0:
0x3a: {  	s20 =	sand.u32 $0x7F00, s18;
	s19 =	sadd.s32 $0x20, s19;
	(pc) =	sbr.rel @p2 .LBB2_2-.Ltmp0, $4  }
0x3b: {  	s18 =	sadd.s32 $0x40, s18;
	s21 =	sand.u32 $0x60, s19  }
0x3c: {  	s20 =	sshrl.u32 s20, $0x2;
	s21 =	sshrl.u32 s21, $0x1  }
0x3d: {  	s20 =	sor.u32 s21, s20  }
0x3e: {  	[tilespmem:s20+$0x5400] =	vst v0  }
0x3f: {  	s3 =	rddreg [dreg:$0xf]  }
0x40: {  	[spmem:s3] =	stream.linear.scatter [tilespmem:s0], [sflag:$0x11], $0x1400, $0x38;
	[tilespmem:$0x1F180] =	vst v63  }
0x41: {  	_ =	swait.ge [sflag:s1], $0x1400  }
0x42: {  	[sflag:s1] =	ssyncset.done $0x0  }
0x43: {  	s24 =	rddreg [dreg:$0x10];
	[sflag:s1] =	ssyncadd.s32 $0xFFFFEC00  }
0x44: {  	[spmem:s24] =	stream.linear.scatter [tilespmem:s0], [sflag:$0x11], $0x1400, $0x38;
	[tilespmem:$0x1F180] =	vst v63  }
0x45: {  	_ =	swait.ge [sflag:s1], $0x1400  }
0x46: {  	[sflag:s1] =	ssyncset.done $0x0  }
0x47: {  	s25 =	rddreg [dreg:$0x11];
	[sflag:s1] =	ssyncadd.s32 $0xFFFFEC00  }
0x48: {  	[spmem:s25] =	stream.linear.scatter [tilespmem:s0], [sflag:$0x11], $0x1400, $0x38;
	[tilespmem:$0x1F180] =	vst v63  }
0x49: {  	_ =	swait.ge [sflag:s1], $0x1400  }
0x4a: {  	[sflag:s1] =	ssyncset.done $0x0  }
0x4b: {  	s26 =	rddreg [dreg:$0x12];
	[sflag:s1] =	ssyncadd.s32 $0xFFFFEC00  }
0x4c: {  	[spmem:s26] =	stream.linear.scatter [tilespmem:s0], [sflag:$0x11], $0x1400, $0x38;
	[tilespmem:$0x1F180] =	vst v63  }
0x4d: {  	_ =	swait.ge [sflag:s1], $0x1400  }
0x4e: {  	[sflag:s1] =	ssyncset.done $0x0  }
0x4f: {  	s28 =	rddreg [dreg:$0x13];
	[sflag:s1] =	ssyncadd.s32 $0xFFFFEC00  }
0x50: {  	[spmem:s28] =	stream.linear.scatter [tilespmem:s0], [sflag:$0x11], $0x1400, $0x38;
	[tilespmem:$0x1F180] =	vst v63  }
0x51: {  	_ =	swait.ge [sflag:s1], $0x1400  }
0x52: {  	[sflag:s1] =	ssyncset.done $0x0  }
0x53: {  	s29 =	rddreg [dreg:$0x14];
	[sflag:s1] =	ssyncadd.s32 $0xFFFFEC00  }
0x54: {  	[spmem:s29] =	stream.linear.scatter [tilespmem:s0], [sflag:$0x11], $0x1400, $0x38;
	[tilespmem:$0x1F180] =	vst v63  }
0x55: {  	_ =	swait.ge [sflag:s1], $0x1400  }
0x56: {  	[sflag:s1] =	ssyncset.done $0x0  }
0x57: {  	s30 =	rddreg [dreg:$0x15];
	[sflag:s1] =	ssyncadd.s32 $0xFFFFEC00  }
0x58: {  	[spmem:s30] =	stream.linear.scatter [tilespmem:s0], [sflag:$0x11], $0x1400, $0x38;
	[tilespmem:$0x1F180] =	vst v63  }
0x59: {  	_ =	swait.ge [sflag:s1], $0x1400  }
0x5a: {  	[sflag:s1] =	ssyncset.done $0x0  }
0x5b: {  	s18 =	simm.s32 @!p0 $0x5400;
	s3 =	rddreg [dreg:$0x16];
	[sflag:s1] =	ssyncadd.s32 $0xFFFFEC00  }
0x5c: {  	[spmem:s3] =	stream.linear.scatter @!p0 [tilespmem:s18], [sflag:$0x11], $0x1400, $0x38;
	[tilespmem:$0x1F180] =	vst v63  }
0x5d: {  	s18 =	simm.s32 @!p0 $0x11  }
0x5e: {  	_ =	swait.ge @!p0 [sflag:s18], $0x1400  }
0x5f: {  	[sflag:s18] =	ssyncset.done @!p0 $0x0  }
0x60: {  	[sflag:s18] =	ssyncadd.s32 @!p0 $0xFFFFEC00  }
0x61: {  	[bflag:$0x0] =	sbarrier.arrive $0xFFFF  }
0x62: {  	s31 =	simm.s32 $0x0;
	s20 =	rddreg [dreg:$0xc]  }
0x63: {  	[tilespmem:s31], [sflag:$0x11] =	stream.linear.gather [hbm4b:s20+s31], $0x2A00, $0x38;
	[tilespmem:$0x1F180] =	vst v63  }
0x64: {  	_ =	swait.ge [sflag:s1], $0x2A00  }
0x65: {  	[sflag:s1] =	ssyncset.done $0x0  }
0x66: {  	s19 =	simm.s32 $0x2A00;
	s21 =	rddreg [dreg:$0xd];
	[sflag:s1] =	ssyncadd.s32 $0xFFFFD600  }
0x67: {  	[tilespmem:s19], [sflag:$0x11] =	stream.linear.gather [hbm4b:s21+s31], $0x2A00, $0x38;
	[tilespmem:$0x1F180] =	vst v63  }
0x68: {  	_ =	swait.ge [sflag:s1], $0x2A00  }
0x69: {  	[sflag:s1] =	ssyncset.done $0x0  }
0x6a: {  	[sflag:s1] =	ssyncadd.s32 $0xFFFFD600  }
0x6b: {  	[tilespmem:s0], [sflag:$0x1] =	stream.indirect.gather [hbm4b:s12+s2], $0x40, s31, s2, $0xb8;
	[tilespmem:$0x1F180] =	vst v63  }
0x6c: {  	s18 =	sand.u32 $0x4, s31  }
0x6d: {  	[tilespmem:s22], [sflag:$0x2] =	stream.indirect.gather [hbm4b:s12+s2], $0x40, s2, s2, $0xb8;
	[tilespmem:$0x1F180] =	vst v63  }
0x6e: {  	s23 =	simm.s32 $0x100;
	s25 =	sxor.u32 $0x4, s18  }
0x6f: {  	[tilespmem:s4], [sflag:$0x3] =	stream.indirect.gather [hbm4b:s12+s2], $0x40, s23, s2, $0xb8;
	[tilespmem:$0x1F180] =	vst v63  }
0x70: {  	s24 =	simm.s32 $0x180;
	s26 =	sor.u32 $0x1, s18;
	s19 =	sshll.u32 s25, $0xD  }
0x71: {  	[tilespmem:s5], [sflag:$0x4] =	stream.indirect.gather [hbm4b:s12+s2], $0x40, s24, s2, $0xb8;
	[tilespmem:$0x1F180] =	vst v63  }
0x72: {  	s20 =	sxor.u32 $0x5, s18;
	s21 =	simm.s32 $0x200;
	s19 =	sor.u32 $0x5400, s19  }
0x73: {  	[tilespmem:s19], [sflag:s20] =	stream.indirect.gather [hbm4b:s12+s2], $0x40, s21, s2, $0xb8;
	[tilespmem:$0x1F180] =	vst v63  }
0x74: {  	s29 =	simm.s32 $0x2A00;
	s30 =	simm.s32 $0x280;
	_ =	swait.ge [sflag:s26], $0x2000  }
0x75: {  	s23 =	sor.u32 $0x9, s18;
	s19 =	sshll.u32 s18, $0xD;
	[sflag:s26] =	ssyncset.done $0x0  }
0x76: {  	s20 =	sshll.u32 s20, $0xD;
	s28 =	sor.u32 $0x5400, s19;
	[sflag:s26] =	ssyncadd.s32 $0xFFFFE000  }
0x77: {  	[spmem:s10] =	stream.indirect.scatter.add.bf16 [tilespmem:s28], [sflag:s23], $0x40, s29, s2, $0xb8;
	[tilespmem:$0x1F180] =	vst v63  }
0x78: {  	s31 =	sxor.u32 $0x6, s18;
	s24 =	sor.u32 $0x2, s18;
	s20 =	sor.u32 $0x5400, s20  }
0x79: {  	[tilespmem:s20], [sflag:s31] =	stream.indirect.gather [hbm4b:s12+s2], $0x40, s30, s2, $0xb8;
	[tilespmem:$0x1F180] =	vst v63  }
0x7a: {  	s25 =	sor.u32 $0x3, s18;
	_ =	swait.ge [sflag:s24], $0x2000  }
0x7b: {  	s3 =	sshll.u32 s31, $0xD;
	s22 =	sor.u32 $0xA, s18;
	[sflag:s24] =	ssyncset.done $0x0  }
0x7c: {  	s26 =	sor.u32 $0x7400, s19;
	s28 =	simm.s32 $0x2A80;
	[sflag:s24] =	ssyncadd.s32 $0xFFFFE000  }
0x7d: {  	[spmem:s10] =	stream.indirect.scatter.add.bf16 [tilespmem:s26], [sflag:s22], $0x40, s28, s2, $0xb8;
	[tilespmem:$0x1F180] =	vst v63  }
0x7e: {  	s29 =	simm.s32 $0x300;
	s20 =	sadd.s32 $0x5400, s3;
	s30 =	sxor.u32 $0x7, s18  }
0x7f: {  	[tilespmem:s20], [sflag:s30] =	stream.indirect.gather [hbm4b:s12+s2], $0x40, s29, s2, $0xb8;
	[tilespmem:$0x1F180] =	vst v63  }
0x80: {  	s31 =	sadd.s32 $0x9400, s19;
	_ =	swait.ge [sflag:s25], $0x2000  }
0x81: {  	s3 =	simm.s32 $0x2B00;
	s24 =	sadd.s32 $0x1, s30;
	[sflag:s25] =	ssyncset.done $0x0  }
0x82: {  	s26 =	sor.u32 $0xB, s18;
	[sflag:s25] =	ssyncadd.s32 $0xFFFFE000;
	s25 =	sshll.u32 s30, $0xD  }
0x83: {  	[spmem:s10] =	stream.indirect.scatter.add.bf16 [tilespmem:s31], [sflag:s26], $0x40, s3, s2, $0xb8;
	[tilespmem:$0x1F180] =	vst v63  }
0x84: {  	s28 =	simm.s32 $0x380;
	s29 =	sadd.s32 $0x4, s18;
	s20 =	sadd.s32 $0x5400, s25  }
0x85: {  	[tilespmem:s20], [sflag:s24] =	stream.indirect.gather [hbm4b:s12+s2], $0x40, s28, s2, $0xb8;
	[tilespmem:$0x1F180] =	vst v63  }
0x86: {  	_ =	swait.ge [sflag:s29], $0x2000  }
0x87: {  	s19 =	sadd.s32 $0xB400, s19;
	[sflag:s29] =	ssyncset.done $0x0  }
0x88: {  	s30 =	simm.s32 $0x2B80;
	s24 =	sadd.s32 $0xC, s18;
	[sflag:s29] =	ssyncadd.s32 $0xFFFFE000  }
0x89: {  	[spmem:s10] =	stream.indirect.scatter.add.bf16 [tilespmem:s19], [sflag:s24], $0x40, s30, s2, $0xb8;
	[tilespmem:$0x1F180] =	vst v63  }
0x8a: {  	_ =	swait.ge [sflag:s23], $0x2000  }
0x8b: {  	[sflag:s23] =	ssyncset.done $0x0  }
0x8c: {  	[sflag:s23] =	ssyncadd.s32 $0xFFFFE000  }
0x8d: {  	_ =	swait.ge [sflag:s22], $0x2000  }
0x8e: {  	[sflag:s22] =	ssyncset.done $0x0  }
0x8f: {  	[sflag:s22] =	ssyncadd.s32 $0xFFFFE000  }
0x90: {  	s21 =	simm.s32 $0x1000;
	s22 =	simm.s32 $0x4;
	_ =	swait.ge [sflag:s26], $0x2000  }
0x91: {  	s18 =	simm.s32 $0x200;
	s19 =	sand.u32 $0x4, s22;
	[sflag:s26] =	ssyncset.done $0x0  }
0x92: {  	s31 =	sxor.u32 $0x4, s19;
	s25 =	sxor.u32 $0x5, s19;
	[sflag:s26] =	ssyncadd.s32 $0xFFFFE000  }
0x93: {  	s20 =	sshll.u32 s19, $0xD;
	s23 =	sshll.u32 s31, $0xD;
	_ =	swait.ge [sflag:s24], $0x2000  }
.LBB2_4:
0x94: {  	s26 =	sor.u32 $0x5400, s23  }
0x95: {  	s28 =	sshll.u32 s25, $0xD;
	[sflag:s24] =	ssyncset.done $0x0;
	s23 =	smov.u32 s21  }
0x96: {  	s29 =	sadd.s32 $0x200, s18;
	s30 =	sor.u32 $0x1, s19;
	[sflag:s24] =	ssyncadd.s32 $0xFFFFE000  }
0x97: {  	[tilespmem:s26], [sflag:s25] =	stream.indirect.gather [hbm4b:s12+s2], $0x40, s29, s2, $0xb8;
	[tilespmem:$0x1F180] =	vst v63  }
0x98: {  	p2 =	sne.s32 s21, $0x9800;
	s21 =	sadd.s32 $0x800, s21;
	_ =	swait.ge [sflag:s30], $0x2000  }
0x99: {  	s24 =	sor.u32 $0x5400, s20;
	s25 =	sor.u32 $0x9, s19;
	[sflag:s30] =	ssyncset.done $0x0  }
0x9a: {  	s26 =	sadd.s32 $0x2A00, s18;
	s29 =	sor.u32 $0x2, s19;
	[sflag:s30] =	ssyncadd.s32 $0xFFFFE000  }
0x9b: {  	[spmem:s10] =	stream.indirect.scatter.add.bf16 [tilespmem:s24], [sflag:s25], $0x40, s26, s2, $0xb8;
	[tilespmem:$0x1F180] =	vst v63  }
0x9c: {  	s24 =	sor.u32 $0x5400, s28;
	s26 =	sadd.s32 $0x280, s18;
	s28 =	sxor.u32 $0x6, s19  }
0x9d: {  	[tilespmem:s24], [sflag:s28] =	stream.indirect.gather [hbm4b:s12+s2], $0x40, s26, s2, $0xb8;
	[tilespmem:$0x1F180] =	vst v63  }
0x9e: {  	s24 =	sshll.u32 s28, $0xD;
	_ =	swait.ge [sflag:s29], $0x2000  }
0x9f: {  	s26 =	sor.u32 $0x7400, s20;
	s28 =	sor.u32 $0xA, s19;
	[sflag:s29] =	ssyncset.done $0x0  }
0xa0: {  	s30 =	sor.u32 $0x3, s19;
	[sflag:s29] =	ssyncadd.s32 $0xFFFFE000;
	s29 =	sadd.s32 $0x2A80, s18  }
0xa1: {  	[spmem:s10] =	stream.indirect.scatter.add.bf16 [tilespmem:s26], [sflag:s28], $0x40, s29, s2, $0xb8;
	[tilespmem:$0x1F180] =	vst v63  }
0xa2: {  	s24 =	sadd.s32 $0x5400, s24;
	s26 =	sadd.s32 $0x300, s18;
	s29 =	sxor.u32 $0x7, s19  }
0xa3: {  	[tilespmem:s24], [sflag:s29] =	stream.indirect.gather [hbm4b:s12+s2], $0x40, s26, s2, $0xb8;
	[tilespmem:$0x1F180] =	vst v63  }
0xa4: {  	s24 =	sshll.u32 s29, $0xD;
	_ =	swait.ge [sflag:s30], $0x2000  }
0xa5: {  	s3 =	sor.u32 $0xB, s19;
	s26 =	sadd.s32 $0x9400, s20;
	[sflag:s30] =	ssyncset.done $0x0  }
0xa6: {  	s31 =	sadd.s32 $0x4, s19;
	[sflag:s30] =	ssyncadd.s32 $0xFFFFE000;
	s30 =	sadd.s32 $0x2B00, s18  }
0xa7: {  	[spmem:s10] =	stream.indirect.scatter.add.bf16 [tilespmem:s26], [sflag:s3], $0x40, s30, s2, $0xb8;
	[tilespmem:$0x1F180] =	vst v63  }
0xa8: {  	s29 =	sadd.s32 $0x1, s29;
	s24 =	sadd.s32 $0x5400, s24;
	s26 =	sadd.s32 $0x380, s18  }
0xa9: {  	[tilespmem:s24], [sflag:s29] =	stream.indirect.gather [hbm4b:s12+s2], $0x40, s26, s2, $0xb8;
	[tilespmem:$0x1F180] =	vst v63  }
0xaa: {  	_ =	swait.ge [sflag:s31], $0x2000  }
0xab: {  	s20 =	sadd.s32 $0xB400, s20;
	s24 =	sadd.s32 $0xC, s19;
	[sflag:s31] =	ssyncset.done $0x0  }
0xac: {  	s18 =	sadd.s32 $0x2B80, s18;
	[sflag:s31] =	ssyncadd.s32 $0xFFFFE000  }
0xad: {  	[spmem:s10] =	stream.indirect.scatter.add.bf16 [tilespmem:s20], [sflag:s24], $0x40, s18, s2, $0xb8;
	[tilespmem:$0x1F180] =	vst v63  }
0xae: {  	_ =	swait.ge [sflag:s25], $0x2000  }
0xaf: {  	[sflag:s25] =	ssyncset.done $0x0  }
0xb0: {  	[sflag:s25] =	ssyncadd.s32 $0xFFFFE000  }
0xb1: {  	_ =	swait.ge [sflag:s28], $0x2000  }
0xb2: {  	[sflag:s28] =	ssyncset.done $0x0  }
.Ltmp1:
0xb3: {  	[sflag:s28] =	ssyncadd.s32 $0xFFFFE000;
	(pc) =	sbr.rel @p2 .LBB2_4-.Ltmp1, $4  }
0xb4: {  	s22 =	sadd.s32 $0x4, s22;
	_ =	swait.ge [sflag:s3], $0x2000  }
0xb5: {  	s19 =	sand.u32 $0x4, s22;
	s18 =	sshra.s32 s23, $0x2;
	[sflag:s3] =	ssyncset.done $0x0  }
0xb6: {  	s20 =	sxor.u32 $0x4, s19;
	s25 =	sxor.u32 $0x5, s19;
	[sflag:s3] =	ssyncadd.s32 $0xFFFFE000  }
0xb7: {  	s23 =	sshll.u32 s20, $0xD;
	s20 =	sshll.u32 s19, $0xD;
	_ =	swait.ge [sflag:s24], $0x2000  }
0xb8: {  	s3 =	sor.u32 $0x5400, s23;
	[sflag:s24] =	ssyncset.done $0x0  }
0xb9: {  	s21 =	sadd.s32 $0x200, s18;
	s22 =	sor.u32 $0x1, s19;
	[sflag:s24] =	ssyncadd.s32 $0xFFFFE000  }
0xba: {  	[tilespmem:s3], [sflag:s25] =	stream.indirect.gather [hbm4b:s12+s2], $0x40, s21, s2, $0xb8;
	[tilespmem:$0x1F180] =	vst v63  }
0xbb: {  	s31 =	sshll.u32 s25, $0xD;
	_ =	swait.ge [sflag:s22], $0x2000  }
0xbc: {  	s23 =	sor.u32 $0x9, s19;
	s26 =	sor.u32 $0x2, s19;
	[sflag:s22] =	ssyncset.done $0x0  }
0xbd: {  	s24 =	sor.u32 $0x5400, s20;
	s25 =	sadd.s32 $0x2A00, s18;
	[sflag:s22] =	ssyncadd.s32 $0xFFFFE000  }
0xbe: {  	[spmem:s10] =	stream.indirect.scatter.add.bf16 [tilespmem:s24], [sflag:s23], $0x40, s25, s2, $0xb8;
	[tilespmem:$0x1F180] =	vst v63  }
0xbf: {  	s28 =	sadd.s32 $0x280, s18;
	s29 =	sxor.u32 $0x6, s19;
	s3 =	sor.u32 $0x5400, s31  }
0xc0: {  	[tilespmem:s3], [sflag:s29] =	stream.indirect.gather [hbm4b:s12+s2], $0x40, s28, s2, $0xb8;
	[tilespmem:$0x1F180] =	vst v63  }
0xc1: {  	s30 =	sshll.u32 s29, $0xD;
	_ =	swait.ge [sflag:s26], $0x2000  }
0xc2: {  	s31 =	sor.u32 $0x7400, s20;
	s22 =	sor.u32 $0xA, s19;
	[sflag:s26] =	ssyncset.done $0x0  }
0xc3: {  	s25 =	sadd.s32 $0x2A80, s18;
	s3 =	sadd.s32 $0x5400, s30;
	[sflag:s26] =	ssyncadd.s32 $0xFFFFE000  }
0xc4: {  	[spmem:s10] =	stream.indirect.scatter.add.bf16 [tilespmem:s31], [sflag:s22], $0x40, s25, s2, $0xb8;
	[tilespmem:$0x1F180] =	vst v63  }
0xc5: {  	s28 =	sadd.s32 $0x300, s18;
	s29 =	sxor.u32 $0x7, s19;
	s26 =	sor.u32 $0x3, s19  }
0xc6: {  	[tilespmem:s3], [sflag:s29] =	stream.indirect.gather [hbm4b:s12+s2], $0x40, s28, s2, $0xb8;
	[tilespmem:$0x1F180] =	vst v63  }
0xc7: {  	s21 =	sor.u32 $0xB, s19;
	_ =	swait.ge [sflag:s26], $0x2000  }
0xc8: {  	s30 =	sadd.s32 $0x9400, s20;
	s24 =	sadd.s32 $0x1, s29;
	[sflag:s26] =	ssyncset.done $0x0  }
0xc9: {  	s31 =	sadd.s32 $0x2B00, s18;
	[sflag:s26] =	ssyncadd.s32 $0xFFFFE000;
	s26 =	sshll.u32 s29, $0xD  }
0xca: {  	[spmem:s10] =	stream.indirect.scatter.add.bf16 [tilespmem:s30], [sflag:s21], $0x40, s31, s2, $0xb8;
	[tilespmem:$0x1F180] =	vst v63  }
0xcb: {  	s28 =	sadd.s32 $0x380, s18;
	s29 =	sadd.s32 $0x4, s19;
	s3 =	sadd.s32 $0x5400, s26  }
0xcc: {  	[tilespmem:s3], [sflag:s24] =	stream.indirect.gather [hbm4b:s12+s2], $0x40, s28, s2, $0xb8;
	[tilespmem:$0x1F180] =	vst v63  }
0xcd: {  	_ =	swait.ge [sflag:s29], $0x2000  }
0xce: {  	s30 =	sadd.s32 $0xB400, s20;
	[sflag:s29] =	ssyncset.done $0x0  }
0xcf: {  	s31 =	sadd.s32 $0xC, s19;
	s20 =	sadd.s32 $0x2B80, s18;
	[sflag:s29] =	ssyncadd.s32 $0xFFFFE000  }
0xd0: {  	[spmem:s10] =	stream.indirect.scatter.add.bf16 [tilespmem:s30], [sflag:s31], $0x40, s20, s2, $0xb8;
	[tilespmem:$0x1F180] =	vst v63  }
0xd1: {  	_ =	swait.ge [sflag:s23], $0x2000  }
0xd2: {  	[sflag:s23] =	ssyncset.done $0x0  }
0xd3: {  	[sflag:s23] =	ssyncadd.s32 $0xFFFFE000  }
0xd4: {  	_ =	swait.ge [sflag:s22], $0x2000  }
0xd5: {  	[sflag:s22] =	ssyncset.done $0x0  }
0xd6: {  	[sflag:s22] =	ssyncadd.s32 $0xFFFFE000  }
0xd7: {  	_ =	swait.ge [sflag:s21], $0x2000  }
0xd8: {  	[sflag:s21] =	ssyncset.done $0x0  }
0xd9: {  	[sflag:s21] =	ssyncadd.s32 $0xFFFFE000  }
0xda: {  	_ =	swait.ge [sflag:s31], $0x2000  }
0xdb: {  	[sflag:s31] =	ssyncset.done $0x0  }
0xdc: {  	[sflag:s31] =	ssyncadd.s32 $0xFFFFE000  }
0xdd: {  	_ =	swait.ge [sflag:s6], $0x2000  }
0xde: {  	[sflag:s6] =	ssyncset.done $0x0  }
0xdf: {  	s22 =	simm.s32 $0x5200;
	[sflag:s6] =	ssyncadd.s32 $0xFFFFE000  }
0xe0: {  	[spmem:s10] =	stream.indirect.scatter.add.bf16 [tilespmem:s0], [sflag:$0x9], $0x40, s22, s2, $0xb8;
	[tilespmem:$0x1F180] =	vst v63  }
0xe1: {  	_ =	swait.ge [sflag:s7], $0x2000  }
0xe2: {  	[sflag:s7] =	ssyncset.done $0x0  }
0xe3: {  	s23 =	simm.s32 $0x5280;
	s22 =	simm.s32 $0x7400;
	[sflag:s7] =	ssyncadd.s32 $0xFFFFE000  }
0xe4: {  	[spmem:s10] =	stream.indirect.scatter.add.bf16 [tilespmem:s22], [sflag:$0xA], $0x40, s23, s2, $0xb8;
	[tilespmem:$0x1F180] =	vst v63  }
0xe5: {  	_ =	swait.ge [sflag:s9], $0x2000  }
0xe6: {  	[sflag:s9] =	ssyncset.done $0x0  }
0xe7: {  	s24 =	simm.s32 $0x5300;
	[sflag:s9] =	ssyncadd.s32 $0xFFFFE000  }
0xe8: {  	[spmem:s10] =	stream.indirect.scatter.add.bf16 [tilespmem:s4], [sflag:$0xB], $0x40, s24, s2, $0xb8;
	[tilespmem:$0x1F180] =	vst v63  }
0xe9: {  	_ =	swait.ge [sflag:s11], $0x2000  }
0xea: {  	[sflag:s11] =	ssyncset.done $0x0  }
0xeb: {  	s25 =	simm.s32 $0x5380;
	[sflag:s11] =	ssyncadd.s32 $0xFFFFE000  }
0xec: {  	[spmem:s10] =	stream.indirect.scatter.add.bf16 [tilespmem:s5], [sflag:$0xC], $0x40, s25, s2, $0xb8;
	[tilespmem:$0x1F180] =	vst v63  }
0xed: {  	_ =	swait.ge [sflag:s13], $0x2000  }
0xee: {  	[sflag:s13] =	ssyncset.done $0x0  }
0xef: {  	[sflag:s13] =	ssyncadd.s32 $0xFFFFE000  }
0xf0: {  	_ =	swait.ge [sflag:s14], $0x2000  }
0xf1: {  	[sflag:s14] =	ssyncset.done $0x0  }
0xf2: {  	[sflag:s14] =	ssyncadd.s32 $0xFFFFE000  }
0xf3: {  	_ =	swait.ge [sflag:s15], $0x2000  }
0xf4: {  	[sflag:s15] =	ssyncset.done $0x0  }
0xf5: {  	[sflag:s15] =	ssyncadd.s32 $0xFFFFE000  }
0xf6: {  	_ =	swait.ge [sflag:s16], $0x2000  }
0xf7: {  	[sflag:s16] =	ssyncset.done $0x0  }
0xf8: {  	[sflag:s16] =	ssyncadd.s32 $0xFFFFE000  }
0xf9: {  	s26 =	stileid.u32;
	[bflag:$0x0] =	sbarrier.arrive $0xFFFF  }
0xfa: {  	s3 =	sshll.u32 s26, $0x6;
	s28 =	rddreg [dreg:$0x4]  }
0xfb: {  	s3 =	sor.u32 $0x1C11, s3;
	s29 =	rddreg [dreg:$0x17]  }
0xfc: {  	[hbm:s28], [sflag:s3] =	dma.local [spmem:s29], $0x280  }
0xfd: {  	_ =	swait.ge [sflag:s1], $0x280  }
0xfe: {  	[sflag:s1] =	ssyncset.done $0x0;
	s30 =	rddreg [dreg:$0x5]  }
0xff: {  	s31 =	rddreg [dreg:$0x18];
	[sflag:s1] =	ssyncadd.s32 $0xFFFFFD80  }
0x100: {  	[hbm:s30], [sflag:s3] =	dma.local [spmem:s31], $0x280  }
0x101: {  	_ =	swait.ge [sflag:s1], $0x280  }
0x102: {  	[sflag:s1] =	ssyncset.done $0x0;
	s19 =	rddreg [dreg:$0x6]  }
0x103: {  	s20 =	rddreg [dreg:$0x19];
	[sflag:s1] =	ssyncadd.s32 $0xFFFFFD80  }
0x104: {  	[hbm:s19], [sflag:s3] =	dma.local [spmem:s20], $0x280  }
0x105: {  	_ =	swait.ge [sflag:s1], $0x280  }
0x106: {  	[sflag:s1] =	ssyncset.done $0x0;
	s21 =	rddreg [dreg:$0x7]  }
0x107: {  	s23 =	rddreg [dreg:$0x1a];
	[sflag:s1] =	ssyncadd.s32 $0xFFFFFD80  }
0x108: {  	[hbm:s21], [sflag:s3] =	dma.local [spmem:s23], $0x280  }
0x109: {  	_ =	swait.ge [sflag:s1], $0x280  }
0x10a: {  	[sflag:s1] =	ssyncset.done $0x0;
	s24 =	rddreg [dreg:$0x8]  }
0x10b: {  	s25 =	rddreg [dreg:$0x1b];
	[sflag:s1] =	ssyncadd.s32 $0xFFFFFD80  }
0x10c: {  	[hbm:s24], [sflag:s3] =	dma.local [spmem:s25], $0x280  }
0x10d: {  	_ =	swait.ge [sflag:s1], $0x280  }
0x10e: {  	[sflag:s1] =	ssyncset.done $0x0;
	s26 =	rddreg [dreg:$0x9]  }
0x10f: {  	s28 =	rddreg [dreg:$0x1c];
	[sflag:s1] =	ssyncadd.s32 $0xFFFFFD80  }
0x110: {  	[hbm:s26], [sflag:s3] =	dma.local [spmem:s28], $0x280  }
0x111: {  	_ =	swait.ge [sflag:s1], $0x280  }
0x112: {  	[sflag:s1] =	ssyncset.done $0x0;
	s29 =	rddreg [dreg:$0xa]  }
0x113: {  	s30 =	rddreg [dreg:$0x1d];
	[sflag:s1] =	ssyncadd.s32 $0xFFFFFD80  }
0x114: {  	[hbm:s29], [sflag:s3] =	dma.local [spmem:s30], $0x280  }
0x115: {  	_ =	swait.ge [sflag:s1], $0x280  }
0x116: {  	[sflag:s1] =	ssyncset.done $0x0  }
0x117: {  	s18 =	rddreg [dreg:$0xb];
	[sflag:s1] =	ssyncadd.s32 $0xFFFFFD80  }
0x118: {  	[hbm:s18], [sflag:s3] =	dma.local @!p1 [spmem:s8], $0x280  }
0x119: {  	s3 =	simm.s32 @!p1 $0x11  }
0x11a: {  	_ =	swait.ge @!p1 [sflag:s3], $0x280  }
0x11b: {  	s17 =	sadd.s32 $0x1, s17;
	s31 =	rddreg [dreg:$0xe]  }
0x11c: {  	p2 =	sne.s32 s17, s31  }
.Ltmp2:
0x11d: {  	_ = 	snop;
	(pc) =	sbr.rel @p2 .LBB2_1-.Ltmp2, $3  }
0x11e: {  	_ =	sdelay $0x1  }
0x11f: {  	[sflag:s3] =	ssyncset.done @!p1 $0x0  }
0x120: {  	[sflag:s3] =	ssyncadd.s32 @!p1 $0xFFFFFD80  }
0x121: {  	_ =	sfence.sel $0x180000  }
0x122: {  	[bflag:$0x0] =	sbarrier.arrive $0xFFFF  }
0x123: {  	_ =	strace $0x90000047  }
0x124: {  	s0 =	stileid.u32;
	[bflag:$0x2] =	sbarrier.arrive $0xFFFF  }
0x125: {  	p0 =	sne.s32 s0, $0x0;
	s0 =	rddreg [dreg:$0x3]  }
0x126: {  	s0 =	sadd.s32 @!p0 $0x100000, s0  }
0x127: {  	[sflag:s0] =	ssyncadd.tile.s32 @!p0 $0x1;
	_ =	shalt  }
.Lfunc_end2:
_tile_overlayer_lowered:
.L_overlay_start_2:
0x128: {  	(tag) =	ssettag $0x2  }
0x129: {  	s0 =	rddreg [dreg:$0x0];
	s2 =	stileid.u32  }
0x12a: {  	s1 =	rddreg [dreg:$0x1];
	p0 =	sne.s32 s2, $0x0  }
0x12b: {  	s3 =	rddreg [dreg:$0x2];
	[bflag:$0x3] =	sbarrier.arrive $0xFFFF;
	s2 =	simm.s32 @!p0 $0x1C11  }
0x12c: {  	[timem:s3], [sflag:s2] =	dma.local @!p0 [hbm:s0], s1  }
0x12d: {  	s0 =	simm.s32 @!p0 $0x11  }
0x12e: {  	_ =	swait.ge @!p0 [sflag:s0], s1  }
0x12f: {  	s1 =	ssub.s32 @!p0 $0x0, s1;
	[sflag:s0] =	ssyncset.done @!p0 $0x0  }
0x130: {  	[sflag:s0] =	ssyncadd.s32 @!p0 s1  }
0x131: {  	[bflag:$0x3] =	sbarrier.arrive $0xFFFF  }
0x132: {  	_ =	shalt  }

</sc_bundles>
